<compile_context>
chip_gen: v7x
topology: tpu7x:2x2x1
jax: 0.10.2.dev20260603
libtpu: 0.0.44.dev20260713+nightly
codegen_flags: <defaults>
</compile_context>

<pallas_src>
import functools

import jax
import jax.numpy as jnp
from jax import lax
from jax.experimental import pallas as pl
from jax.experimental.pallas import tpu as pltpu
from jax.experimental.pallas import tpu_sc as plsc

NC = 2
NS = 16
NW = NC * NS
CHUNK = 128
LANES = 16


def kernel(QR, symbols):
    B, L = QR.shape
    V, D = symbols.shape
    N = B * L
    assert N % (NW * CHUNK) == 0 and CHUNK % LANES == 0
    n_chunks = N // (NW * CHUNK)
    n_rg = CHUNK // LANES
    idx = (QR.reshape(n_chunks, NW, CHUNK).transpose(1, 0, 2)
           .reshape(NW, n_chunks * CHUNK))
    table_flat = symbols.reshape(V * D)

    mesh = plsc.VectorSubcoreMesh(core_axis_name="c", subcore_axis_name="s")

    @functools.partial(
        pl.kernel,
        mesh=mesh,
        compiler_params=pltpu.CompilerParams(needs_layout_passes=False),
        out_type=jax.ShapeDtypeStruct((N * D,), jnp.float32),
        scratch_types=[
            pltpu.VMEM((V * D,), jnp.float32),
            pltpu.VMEM((n_chunks * CHUNK,), jnp.int32),
            pltpu.VMEM((CHUNK * D,), jnp.float32),
            pltpu.SemaphoreType.DMA,
            pltpu.SemaphoreType.DMA,
        ],
    )
    def gather_kernel(table_hbm, idx_hbm, out_hbm, table_v, idxg_v,
                      dummy_v, ss0, ss1):
        wid = lax.axis_index("s") * NC + lax.axis_index("c")
        pltpu.sync_copy(table_hbm, table_v)
        pltpu.sync_copy(idx_hbm.at[wid], idxg_v)
        ssems = (ss0, ss1)

        def fire(c, b):
            def rg_body(rg, carry):
                idx16 = idxg_v[pl.ds((c * n_rg + rg) * LANES, LANES)]
                out0 = ((c * NW + wid) * CHUNK + rg * LANES) * D
                for r in range(LANES):
                    base = idx16[r] * D
                    pltpu.make_async_copy(
                        table_v.at[pl.ds(base, D)],
                        out_hbm.at[pl.ds(out0 + r * D, D)],
                        ssems[b]).start()
                return carry

            lax.fori_loop(0, n_rg, rg_body, 0)

        def drain(b):
            pltpu.make_async_copy(
                out_hbm.at[pl.ds(0, CHUNK * D)], dummy_v, ssems[b]).wait()

        for c in range(2):
            fire(c, c)

        def body(g, carry):
            for b in range(2):
                c = g * 2 + b
                drain(b)
                fire(c, b)
            return carry

        lax.fori_loop(1, n_chunks // 2, body, 0)
        for b in range(2):
            drain(b)

    out = gather_kernel(table_flat, idx)
    return out.reshape(B, L, D)

# --- scband reference (transcript-rebuilt; emitter-appended) ---
"""Pipeline reference for scband-unifont-module-8718783610983 (READ-ONLY COPY).

The authoritative reference and input builder live on the scoring server;
editing this copy changes nothing except your own understanding.
"""

import jax, jax.numpy as jnp
import numpy as np

NUM_SYMBOLS = 96  # len(charset)=95 + 1 zero row inserted at index 0
SYM_DIM = 256     # 16x16 unifont bitmap flattened
B, L = 4096, 50


def setup_inputs(seed: int = 0) -> dict:
    key = jax.random.key(seed)
    k1, k2 = jax.random.split(key)
    # Binary glyph bitmaps, like unifont mats; row 0 is the zero pad symbol.
    symbols = (jax.random.uniform(k1, (NUM_SYMBOLS, SYM_DIM)) > 0.5).astype(jnp.float32)
    symbols = symbols.at[0].set(0.0)
    QR = jax.random.randint(k2, (B, L), 0, NUM_SYMBOLS, dtype=jnp.int32)
    return {"QR": QR, "symbols": symbols}


def reference(QR, symbols):
    # forward: self.symbols[QR] -> gather rows of the glyph table
    return jnp.take(symbols, QR, axis=0)

if __name__ == "__main__":
    import jax
    _d = setup_inputs()
    print(jax.jit(kernel)(*tuple(_d.values())))

</pallas_src>

<mosaic_0001>
#map = affine_map<(d0, d1) -> (0)>
#map1 = affine_map<(d0, d1) -> (0, 0)>
module attributes {stable_mosaic.version = 14 : i64} {
  func.func @gather_kernel(%arg0: i32, %arg1: i32, %arg2: memref<24576xf32, #tpu.memory_space<hbm>>, %arg3: memref<32x6400xi32, #tpu.memory_space<hbm>>, %arg4: memref<52428800xf32, #tpu.memory_space<hbm>>, %arg5: memref<24576xf32, #tpu.memory_space<vmem>>, %arg6: memref<6400xi32, #tpu.memory_space<vmem>>, %arg7: memref<32768xf32, #tpu.memory_space<vmem>>, %arg8: memref<!tpu.dma_semaphore, #tpu.memory_space<semaphore_mem>>, %arg9: memref<!tpu.dma_semaphore, #tpu.memory_space<semaphore_mem>>) attributes {dimension_semantics = [#tpu.dimension_semantics<core_parallel>, #tpu.dimension_semantics<subcore_parallel>], iteration_bounds = array<i64: 2, 16>, scalar_prefetch = 0 : i64, scratch_operands = 5 : i64, tpu.core_type = #tpu.core_type<sc_vector_subcore>, window_params = [{transform_indices = #map}, {transform_indices = #map1}, {transform_indices = #map}]} {
    %mul3A = arith.constant 2 : i32
    %mul3A_0 = arith.muli %arg1, %mul3A : i32
    %add3A = arith.addi %mul3A_0, %arg0 : i32
    "tpu.region"() ({
      %run_scoped3A = tpu.sem_alloc : memref<!tpu.dma_semaphore, #tpu.memory_space<semaphore_mem>>
      tpu.enqueue_dma source(%arg2 : memref<24576xf32, #tpu.memory_space<hbm>>) target(%arg5 : memref<24576xf32, #tpu.memory_space<vmem>>) target_semaphore(%run_scoped3A : memref<!tpu.dma_semaphore, #tpu.memory_space<semaphore_mem>>)
      tpu.wait_dma2 semaphore(%run_scoped3A : memref<!tpu.dma_semaphore, #tpu.memory_space<semaphore_mem>>) src(%arg2 : memref<24576xf32, #tpu.memory_space<hbm>>) dst(%arg5 : memref<24576xf32, #tpu.memory_space<vmem>>)
      tpu.yield
    }) : () -> ()
    "tpu.region"() ({
      %run_scoped3A = tpu.sem_alloc : memref<!tpu.dma_semaphore, #tpu.memory_space<semaphore_mem>>
      %dma_start3A = arith.constant 0 : i32
      %dma_start3A_25 = tpu.memref_slice %arg3[%add3A, %dma_start3A] : memref<32x6400xi32, #tpu.memory_space<hbm>> -> memref<1x6400xi32, #tpu.memory_space<hbm>>
      %dma_start3A_26 = tpu.memref_squeeze %dma_start3A_25 : memref<1x6400xi32, #tpu.memory_space<hbm>> -> memref<6400xi32, #tpu.memory_space<hbm>>
      %dma_start3A_27 = arith.constant 0 : i32
      %dma_start3A_28 = tpu.memref_slice %arg3[%add3A, %dma_start3A_27] : memref<32x6400xi32, #tpu.memory_space<hbm>> -> memref<1x6400xi32, #tpu.memory_space<hbm>>
      %dma_start3A_29 = tpu.memref_squeeze %dma_start3A_28 : memref<1x6400xi32, #tpu.memory_space<hbm>> -> memref<6400xi32, #tpu.memory_space<hbm>>
      tpu.enqueue_dma source(%dma_start3A_29 : memref<6400xi32, #tpu.memory_space<hbm>>) target(%arg6 : memref<6400xi32, #tpu.memory_space<vmem>>) target_semaphore(%run_scoped3A : memref<!tpu.dma_semaphore, #tpu.memory_space<semaphore_mem>>)
      %dma_wait3A_30 = arith.constant 0 : i32
      %dma_wait3A_31 = tpu.memref_slice %arg3[%add3A, %dma_wait3A_30] : memref<32x6400xi32, #tpu.memory_space<hbm>> -> memref<1x6400xi32, #tpu.memory_space<hbm>>
      %dma_wait3A_32 = tpu.memref_squeeze %dma_wait3A_31 : memref<1x6400xi32, #tpu.memory_space<hbm>> -> memref<6400xi32, #tpu.memory_space<hbm>>
      %dma_wait3A_33 = arith.constant 0 : i32
      %dma_wait3A_34 = tpu.memref_slice %arg3[%add3A, %dma_wait3A_33] : memref<32x6400xi32, #tpu.memory_space<hbm>> -> memref<1x6400xi32, #tpu.memory_space<hbm>>
      %dma_wait3A_35 = tpu.memref_squeeze %dma_wait3A_34 : memref<1x6400xi32, #tpu.memory_space<hbm>> -> memref<6400xi32, #tpu.memory_space<hbm>>
      tpu.wait_dma2 semaphore(%run_scoped3A : memref<!tpu.dma_semaphore, #tpu.memory_space<semaphore_mem>>) src(%dma_wait3A_35 : memref<6400xi32, #tpu.memory_space<hbm>>) dst(%arg6 : memref<6400xi32, #tpu.memory_space<vmem>>)
      tpu.yield
    }) : () -> ()
    %scan3A = arith.constant 0 : i32
    %scan3A_1 = arith.constant 0 : i32
    %scan3A_2 = arith.constant 8 : i32
    %scan3A_3 = arith.addi %scan3A_1, %scan3A_2 : i32
    %scan3A_4 = arith.constant 1 : i32
    scf.for %scan3A_25 = %scan3A_1 to %scan3A_3 step %scan3A_4  : i32 {
      %add3A_26 = arith.constant 0 : i32
      %add3A_27 = arith.addi %add3A_26, %scan3A_25 : i32
      %mul3A_28 = arith.constant 16 : i32
      %mul3A_29 = arith.muli %add3A_27, %mul3A_28 : i32
      %get3A = arith.index_cast %mul3A_29 : i32 to index
      %get3A_30 = tpu.vector_load %arg6[%get3A] {strides = array<i32>} : memref<6400xi32, #tpu.memory_space<vmem>>, vector<16xi32>,
      %add3A_31 = arith.constant 0 : i32
      %add3A_32 = arith.addi %add3A_31, %add3A : i32
      %mul3A_33 = arith.constant 128 : i32
      %mul3A_34 = arith.muli %add3A_32, %mul3A_33 : i32
      %mul3A_35 = arith.constant 16 : i32
      %mul3A_36 = arith.muli %scan3A_25, %mul3A_35 : i32
      %add3A_37 = arith.addi %mul3A_34, %mul3A_36 : i32
      %mul3A_38 = arith.constant 256 : i32
      %mul3A_39 = arith.muli %add3A_37, %mul3A_38 : i32
      %slice3A = vector.extract_strided_slice %get3A_30 {offsets = [0], sizes = [1], strides = [1]} : vector<16xi32> to vector<1xi32>
      %squeeze3A = vector.extract %slice3A[0] : i32 from vector<1xi32>
      %mul3A_40 = arith.constant 256 : i32
      %mul3A_41 = arith.muli %squeeze3A, %mul3A_40 : i32
      %add3A_42 = arith.constant 0 : i32
      %add3A_43 = arith.addi %mul3A_39, %add3A_42 : i32
      %dma_start3A = tpu.memref_slice %arg5[%mul3A_41] : memref<24576xf32, #tpu.memory_space<vmem>> -> memref<256xf32, #tpu.memory_space<vmem>>
      %dma_start3A_44 = tpu.memref_slice %arg4[%add3A_43] : memref<52428800xf32, #tpu.memory_space<hbm>> -> memref<256xf32, #tpu.memory_space<hbm>>
      %dma_start3A_45 = tpu.memref_slice %arg4[%add3A_43] : memref<52428800xf32, #tpu.memory_space<hbm>> -> memref<256xf32, #tpu.memory_space<hbm>>
      %dma_start3A_46 = tpu.memref_slice %arg5[%mul3A_41] : memref<24576xf32, #tpu.memory_space<vmem>> -> memref<256xf32, #tpu.memory_space<vmem>>
      tpu.enqueue_dma source(%dma_start3A_46 : memref<256xf32, #tpu.memory_space<vmem>>) target(%dma_start3A_45 : memref<256xf32, #tpu.memory_space<hbm>>) target_semaphore(%arg8 : memref<!tpu.dma_semaphore, #tpu.memory_space<semaphore_mem>>)
      %slice3A_47 = vector.extract_strided_slice %get3A_30 {offsets = [1], sizes = [1], strides = [1]} : vector<16xi32> to vector<1xi32>
      %squeeze3A_48 = vector.extract %slice3A_47[0] : i32 from vector<1xi32>
      %mul3A_49 = arith.constant 256 : i32
      %mul3A_50 = arith.muli %squeeze3A_48, %mul3A_49 : i32
      %add3A_51 = arith.constant 256 : i32
      %add3A_52 = arith.addi %mul3A_39, %add3A_51 : i32
      %dma_start3A_53 = tpu.memref_slice %arg5[%mul3A_50] : memref<24576xf32, #tpu.memory_space<vmem>> -> memref<256xf32, #tpu.memory_space<vmem>>
      %dma_start3A_54 = tpu.memref_slice %arg4[%add3A_52] : memref<52428800xf32, #tpu.memory_space<hbm>> -> memref<256xf32, #tpu.memory_space<hbm>>
      %dma_start3A_55 = tpu.memref_slice %arg4[%add3A_52] : memref<52428800xf32, #tpu.memory_space<hbm>> -> memref<256xf32, #tpu.memory_space<hbm>>
      %dma_start3A_56 = tpu.memref_slice %arg5[%mul3A_50] : memref<24576xf32, #tpu.memory_space<vmem>> -> memref<256xf32, #tpu.memory_space<vmem>>
      tpu.enqueue_dma source(%dma_start3A_56 : memref<256xf32, #tpu.memory_space<vmem>>) target(%dma_start3A_55 : memref<256xf32, #tpu.memory_space<hbm>>) target_semaphore(%arg8 : memref<!tpu.dma_semaphore, #tpu.memory_space<semaphore_mem>>)
      %slice3A_57 = vector.extract_strided_slice %get3A_30 {offsets = [2], sizes = [1], strides = [1]} : vector<16xi32> to vector<1xi32>
      %squeeze3A_58 = vector.extract %slice3A_57[0] : i32 from vector<1xi32>
      %mul3A_59 = arith.constant 256 : i32
      %mul3A_60 = arith.muli %squeeze3A_58, %mul3A_59 : i32
      %add3A_61 = arith.constant 512 : i32
      %add3A_62 = arith.addi %mul3A_39, %add3A_61 : i32
      %dma_start3A_63 = tpu.memref_slice %arg5[%mul3A_60] : memref<24576xf32, #tpu.memory_space<vmem>> -> memref<256xf32, #tpu.memory_space<vmem>>
      %dma_start3A_64 = tpu.memref_slice %arg4[%add3A_62] : memref<52428800xf32, #tpu.memory_space<hbm>> -> memref<256xf32, #tpu.memory_space<hbm>>
      %dma_start3A_65 = tpu.memref_slice %arg4[%add3A_62] : memref<52428800xf32, #tpu.memory_space<hbm>> -> memref<256xf32, #tpu.memory_space<hbm>>
      %dma_start3A_66 = tpu.memref_slice %arg5[%mul3A_60] : memref<24576xf32, #tpu.memory_space<vmem>> -> memref<256xf32, #tpu.memory_space<vmem>>
      tpu.enqueue_dma source(%dma_start3A_66 : memref<256xf32, #tpu.memory_space<vmem>>) target(%dma_start3A_65 : memref<256xf32, #tpu.memory_space<hbm>>) target_semaphore(%arg8 : memref<!tpu.dma_semaphore, #tpu.memory_space<semaphore_mem>>)
      %slice3A_67 = vector.extract_strided_slice %get3A_30 {offsets = [3], sizes = [1], strides = [1]} : vector<16xi32> to vector<1xi32>
      %squeeze3A_68 = vector.extract %slice3A_67[0] : i32 from vector<1xi32>
      %mul3A_69 = arith.constant 256 : i32
      %mul3A_70 = arith.muli %squeeze3A_68, %mul3A_69 : i32
      %add3A_71 = arith.constant 768 : i32
      %add3A_72 = arith.addi %mul3A_39, %add3A_71 : i32
      %dma_start3A_73 = tpu.memref_slice %arg5[%mul3A_70] : memref<24576xf32, #tpu.memory_space<vmem>> -> memref<256xf32, #tpu.memory_space<vmem>>
      %dma_start3A_74 = tpu.memref_slice %arg4[%add3A_72] : memref<52428800xf32, #tpu.memory_space<hbm>> -> memref<256xf32, #tpu.memory_space<hbm>>
      %dma_start3A_75 = tpu.memref_slice %arg4[%add3A_72] : memref<52428800xf32, #tpu.memory_space<hbm>> -> memref<256xf32, #tpu.memory_space<hbm>>
      %dma_start3A_76 = tpu.memref_slice %arg5[%mul3A_70] : memref<24576xf32, #tpu.memory_space<vmem>> -> memref<256xf32, #tpu.memory_space<vmem>>
      tpu.enqueue_dma source(%dma_start3A_76 : memref<256xf32, #tpu.memory_space<vmem>>) target(%dma_start3A_75 : memref<256xf32, #tpu.memory_space<hbm>>) target_semaphore(%arg8 : memref<!tpu.dma_semaphore, #tpu.memory_space<semaphore_mem>>)
      %slice3A_77 = vector.extract_strided_slice %get3A_30 {offsets = [4], sizes = [1], strides = [1]} : vector<16xi32> to vector<1xi32>
      %squeeze3A_78 = vector.extract %slice3A_77[0] : i32 from vector<1xi32>
      %mul3A_79 = arith.constant 256 : i32
      %mul3A_80 = arith.muli %squeeze3A_78, %mul3A_79 : i32
      %add3A_81 = arith.constant 1024 : i32
      %add3A_82 = arith.addi %mul3A_39, %add3A_81 : i32
      %dma_start3A_83 = tpu.memref_slice %arg5[%mul3A_80] : memref<24576xf32, #tpu.memory_space<vmem>> -> memref<256xf32, #tpu.memory_space<vmem>>
      %dma_start3A_84 = tpu.memref_slice %arg4[%add3A_82] : memref<52428800xf32, #tpu.memory_space<hbm>> -> memref<256xf32, #tpu.memory_space<hbm>>
      %dma_start3A_85 = tpu.memref_slice %arg4[%add3A_82] : memref<52428800xf32, #tpu.memory_space<hbm>> -> memref<256xf32, #tpu.memory_space<hbm>>
      %dma_start3A_86 = tpu.memref_slice %arg5[%mul3A_80] : memref<24576xf32, #tpu.memory_space<vmem>> -> memref<256xf32, #tpu.memory_space<vmem>>
      tpu.enqueue_dma source(%dma_start3A_86 : memref<256xf32, #tpu.memory_space<vmem>>) target(%dma_start3A_85 : memref<256xf32, #tpu.memory_space<hbm>>) target_semaphore(%arg8 : memref<!tpu.dma_semaphore, #tpu.memory_space<semaphore_mem>>)
      %slice3A_87 = vector.extract_strided_slice %get3A_30 {offsets = [5], sizes = [1], strides = [1]} : vector<16xi32> to vector<1xi32>
      %squeeze3A_88 = vector.extract %slice3A_87[0] : i32 from vector<1xi32>
      %mul3A_89 = arith.constant 256 : i32
      %mul3A_90 = arith.muli %squeeze3A_88, %mul3A_89 : i32
      %add3A_91 = arith.constant 1280 : i32
      %add3A_92 = arith.addi %mul3A_39, %add3A_91 : i32
      %dma_start3A_93 = tpu.memref_slice %arg5[%mul3A_90] : memref<24576xf32, #tpu.memory_space<vmem>> -> memref<256xf32, #tpu.memory_space<vmem>>
      %dma_start3A_94 = tpu.memref_slice %arg4[%add3A_92] : memref<52428800xf32, #tpu.memory_space<hbm>> -> memref<256xf32, #tpu.memory_space<hbm>>
      %dma_start3A_95 = tpu.memref_slice %arg4[%add3A_92] : memref<52428800xf32, #tpu.memory_space<hbm>> -> memref<256xf32, #tpu.memory_space<hbm>>
      %dma_start3A_96 = tpu.memref_slice %arg5[%mul3A_90] : memref<24576xf32, #tpu.memory_space<vmem>> -> memref<256xf32, #tpu.memory_space<vmem>>
      tpu.enqueue_dma source(%dma_start3A_96 : memref<256xf32, #tpu.memory_space<vmem>>) target(%dma_start3A_95 : memref<256xf32, #tpu.memory_space<hbm>>) target_semaphore(%arg8 : memref<!tpu.dma_semaphore, #tpu.memory_space<semaphore_mem>>)
      %slice3A_97 = vector.extract_strided_slice %get3A_30 {offsets = [6], sizes = [1], strides = [1]} : vector<16xi32> to vector<1xi32>
      %squeeze3A_98 = vector.extract %slice3A_97[0] : i32 from vector<1xi32>
      %mul3A_99 = arith.constant 256 : i32
      %mul3A_100 = arith.muli %squeeze3A_98, %mul3A_99 : i32
      %add3A_101 = arith.constant 1536 : i32
      %add3A_102 = arith.addi %mul3A_39, %add3A_101 : i32
      %dma_start3A_103 = tpu.memref_slice %arg5[%mul3A_100] : memref<24576xf32, #tpu.memory_space<vmem>> -> memref<256xf32, #tpu.memory_space<vmem>>
      %dma_start3A_104 = tpu.memref_slice %arg4[%add3A_102] : memref<52428800xf32, #tpu.memory_space<hbm>> -> memref<256xf32, #tpu.memory_space<hbm>>
      %dma_start3A_105 = tpu.memref_slice %arg4[%add3A_102] : memref<52428800xf32, #tpu.memory_space<hbm>> -> memref<256xf32, #tpu.memory_space<hbm>>
      %dma_start3A_106 = tpu.memref_slice %arg5[%mul3A_100] : memref<24576xf32, #tpu.memory_space<vmem>> -> memref<256xf32, #tpu.memory_space<vmem>>
      tpu.enqueue_dma source(%dma_start3A_106 : memref<256xf32, #tpu.memory_space<vmem>>) target(%dma_start3A_105 : memref<256xf32, #tpu.memory_space<hbm>>) target_semaphore(%arg8 : memref<!tpu.dma_semaphore, #tpu.memory_space<semaphore_mem>>)
      %slice3A_107 = vector.extract_strided_slice %get3A_30 {offsets = [7], sizes = [1], strides = [1]} : vector<16xi32> to vector<1xi32>
      %squeeze3A_108 = vector.extract %slice3A_107[0] : i32 from vector<1xi32>
      %mul3A_109 = arith.constant 256 : i32
      %mul3A_110 = arith.muli %squeeze3A_108, %mul3A_109 : i32
      %add3A_111 = arith.constant 1792 : i32
      %add3A_112 = arith.addi %mul3A_39, %add3A_111 : i32
      %dma_start3A_113 = tpu.memref_slice %arg5[%mul3A_110] : memref<24576xf32, #tpu.memory_space<vmem>> -> memref<256xf32, #tpu.memory_space<vmem>>
      %dma_start3A_114 = tpu.memref_slice %arg4[%add3A_112] : memref<52428800xf32, #tpu.memory_space<hbm>> -> memref<256xf32, #tpu.memory_space<hbm>>
      %dma_start3A_115 = tpu.memref_slice %arg4[%add3A_112] : memref<52428800xf32, #tpu.memory_space<hbm>> -> memref<256xf32, #tpu.memory_space<hbm>>
      %dma_start3A_116 = tpu.memref_slice %arg5[%mul3A_110] : memref<24576xf32, #tpu.memory_space<vmem>> -> memref<256xf32, #tpu.memory_space<vmem>>
      tpu.enqueue_dma source(%dma_start3A_116 : memref<256xf32, #tpu.memory_space<vmem>>) target(%dma_start3A_115 : memref<256xf32, #tpu.memory_space<hbm>>) target_semaphore(%arg8 : memref<!tpu.dma_semaphore, #tpu.memory_space<semaphore_mem>>)
      %slice3A_117 = vector.extract_strided_slice %get3A_30 {offsets = [8], sizes = [1], strides = [1]} : vector<16xi32> to vector<1xi32>
      %squeeze3A_118 = vector.extract %slice3A_117[0] : i32 from vector<1xi32>
      %mul3A_119 = arith.constant 256 : i32
      %mul3A_120 = arith.muli %squeeze3A_118, %mul3A_119 : i32
      %add3A_121 = arith.constant 2048 : i32
      %add3A_122 = arith.addi %mul3A_39, %add3A_121 : i32
      %dma_start3A_123 = tpu.memref_slice %arg5[%mul3A_120] : memref<24576xf32, #tpu.memory_space<vmem>> -> memref<256xf32, #tpu.memory_space<vmem>>
      %dma_start3A_124 = tpu.memref_slice %arg4[%add3A_122] : memref<52428800xf32, #tpu.memory_space<hbm>> -> memref<256xf32, #tpu.memory_space<hbm>>
      %dma_start3A_125 = tpu.memref_slice %arg4[%add3A_122] : memref<52428800xf32, #tpu.memory_space<hbm>> -> memref<256xf32, #tpu.memory_space<hbm>>
      %dma_start3A_126 = tpu.memref_slice %arg5[%mul3A_120] : memref<24576xf32, #tpu.memory_space<vmem>> -> memref<256xf32, #tpu.memory_space<vmem>>
      tpu.enqueue_dma source(%dma_start3A_126 : memref<256xf32, #tpu.memory_space<vmem>>) target(%dma_start3A_125 : memref<256xf32, #tpu.memory_space<hbm>>) target_semaphore(%arg8 : memref<!tpu.dma_semaphore, #tpu.memory_space<semaphore_mem>>)
      %slice3A_127 = vector.extract_strided_slice %get3A_30 {offsets = [9], sizes = [1], strides = [1]} : vector<16xi32> to vector<1xi32>
      %squeeze3A_128 = vector.extract %slice3A_127[0] : i32 from vector<1xi32>
      %mul3A_129 = arith.constant 256 : i32
      %mul3A_130 = arith.muli %squeeze3A_128, %mul3A_129 : i32
      %add3A_131 = arith.constant 2304 : i32
      %add3A_132 = arith.addi %mul3A_39, %add3A_131 : i32
      %dma_start3A_133 = tpu.memref_slice %arg5[%mul3A_130] : memref<24576xf32, #tpu.memory_space<vmem>> -> memref<256xf32, #tpu.memory_space<vmem>>
      %dma_start3A_134 = tpu.memref_slice %arg4[%add3A_132] : memref<52428800xf32, #tpu.memory_space<hbm>> -> memref<256xf32, #tpu.memory_space<hbm>>
      %dma_start3A_135 = tpu.memref_slice %arg4[%add3A_132] : memref<52428800xf32, #tpu.memory_space<hbm>> -> memref<256xf32, #tpu.memory_space<hbm>>
      %dma_start3A_136 = tpu.memref_slice %arg5[%mul3A_130] : memref<24576xf32, #tpu.memory_space<vmem>> -> memref<256xf32, #tpu.memory_space<vmem>>
      tpu.enqueue_dma source(%dma_start3A_136 : memref<256xf32, #tpu.memory_space<vmem>>) target(%dma_start3A_135 : memref<256xf32, #tpu.memory_space<hbm>>) target_semaphore(%arg8 : memref<!tpu.dma_semaphore, #tpu.memory_space<semaphore_mem>>)
      %slice3A_137 = vector.extract_strided_slice %get3A_30 {offsets = [10], sizes = [1], strides = [1]} : vector<16xi32> to vector<1xi32>
      %squeeze3A_138 = vector.extract %slice3A_137[0] : i32 from vector<1xi32>
      %mul3A_139 = arith.constant 256 : i32
      %mul3A_140 = arith.muli %squeeze3A_138, %mul3A_139 : i32
      %add3A_141 = arith.constant 2560 : i32
      %add3A_142 = arith.addi %mul3A_39, %add3A_141 : i32
      %dma_start3A_143 = tpu.memref_slice %arg5[%mul3A_140] : memref<24576xf32, #tpu.memory_space<vmem>> -> memref<256xf32, #tpu.memory_space<vmem>>
      %dma_start3A_144 = tpu.memref_slice %arg4[%add3A_142] : memref<52428800xf32, #tpu.memory_space<hbm>> -> memref<256xf32, #tpu.memory_space<hbm>>
      %dma_start3A_145 = tpu.memref_slice %arg4[%add3A_142] : memref<52428800xf32, #tpu.memory_space<hbm>> -> memref<256xf32, #tpu.memory_space<hbm>>
      %dma_start3A_146 = tpu.memref_slice %arg5[%mul3A_140] : memref<24576xf32, #tpu.memory_space<vmem>> -> memref<256xf32, #tpu.memory_space<vmem>>
      tpu.enqueue_dma source(%dma_start3A_146 : memref<256xf32, #tpu.memory_space<vmem>>) target(%dma_start3A_145 : memref<256xf32, #tpu.memory_space<hbm>>) target_semaphore(%arg8 : memref<!tpu.dma_semaphore, #tpu.memory_space<semaphore_mem>>)
      %slice3A_147 = vector.extract_strided_slice %get3A_30 {offsets = [11], sizes = [1], strides = [1]} : vector<16xi32> to vector<1xi32>
      %squeeze3A_148 = vector.extract %slice3A_147[0] : i32 from vector<1xi32>
      %mul3A_149 = arith.constant 256 : i32
      %mul3A_150 = arith.muli %squeeze3A_148, %mul3A_149 : i32
      %add3A_151 = arith.constant 2816 : i32
      %add3A_152 = arith.addi %mul3A_39, %add3A_151 : i32
      %dma_start3A_153 = tpu.memref_slice %arg5[%mul3A_150] : memref<24576xf32, #tpu.memory_space<vmem>> -> memref<256xf32, #tpu.memory_space<vmem>>
      %dma_start3A_154 = tpu.memref_slice %arg4[%add3A_152] : memref<52428800xf32, #tpu.memory_space<hbm>> -> memref<256xf32, #tpu.memory_space<hbm>>
      %dma_start3A_155 = tpu.memref_slice %arg4[%add3A_152] : memref<52428800xf32, #tpu.memory_space<hbm>> -> memref<256xf32, #tpu.memory_space<hbm>>
      %dma_start3A_156 = tpu.memref_slice %arg5[%mul3A_150] : memref<24576xf32, #tpu.memory_space<vmem>> -> memref<256xf32, #tpu.memory_space<vmem>>
      tpu.enqueue_dma source(%dma_start3A_156 : memref<256xf32, #tpu.memory_space<vmem>>) target(%dma_start3A_155 : memref<256xf32, #tpu.memory_space<hbm>>) target_semaphore(%arg8 : memref<!tpu.dma_semaphore, #tpu.memory_space<semaphore_mem>>)
      %slice3A_157 = vector.extract_strided_slice %get3A_30 {offsets = [12], sizes = [1], strides = [1]} : vector<16xi32> to vector<1xi32>
      %squeeze3A_158 = vector.extract %slice3A_157[0] : i32 from vector<1xi32>
      %mul3A_159 = arith.constant 256 : i32
      %mul3A_160 = arith.muli %squeeze3A_158, %mul3A_159 : i32
      %add3A_161 = arith.constant 3072 : i32
      %add3A_162 = arith.addi %mul3A_39, %add3A_161 : i32
      %dma_start3A_163 = tpu.memref_slice %arg5[%mul3A_160] : memref<24576xf32, #tpu.memory_space<vmem>> -> memref<256xf32, #tpu.memory_space<vmem>>
      %dma_start3A_164 = tpu.memref_slice %arg4[%add3A_162] : memref<52428800xf32, #tpu.memory_space<hbm>> -> memref<256xf32, #tpu.memory_space<hbm>>
      %dma_start3A_165 = tpu.memref_slice %arg4[%add3A_162] : memref<52428800xf32, #tpu.memory_space<hbm>> -> memref<256xf32, #tpu.memory_space<hbm>>
      %dma_start3A_166 = tpu.memref_slice %arg5[%mul3A_160] : memref<24576xf32, #tpu.memory_space<vmem>> -> memref<256xf32, #tpu.memory_space<vmem>>
      tpu.enqueue_dma source(%dma_start3A_166 : memref<256xf32, #tpu.memory_space<vmem>>) target(%dma_start3A_165 : memref<256xf32, #tpu.memory_space<hbm>>) target_semaphore(%arg8 : memref<!tpu.dma_semaphore, #tpu.memory_space<semaphore_mem>>)
      %slice3A_167 = vector.extract_strided_slice %get3A_30 {offsets = [13], sizes = [1], strides = [1]} : vector<16xi32> to vector<1xi32>
      %squeeze3A_168 = vector.extract %slice3A_167[0] : i32 from vector<1xi32>
      %mul3A_169 = arith.constant 256 : i32
      %mul3A_170 = arith.muli %squeeze3A_168, %mul3A_169 : i32
      %add3A_171 = arith.constant 3328 : i32
      %add3A_172 = arith.addi %mul3A_39, %add3A_171 : i32
      %dma_start3A_173 = tpu.memref_slice %arg5[%mul3A_170] : memref<24576xf32, #tpu.memory_space<vmem>> -> memref<256xf32, #tpu.memory_space<vmem>>
      %dma_start3A_174 = tpu.memref_slice %arg4[%add3A_172] : memref<52428800xf32, #tpu.memory_space<hbm>> -> memref<256xf32, #tpu.memory_space<hbm>>
      %dma_start3A_175 = tpu.memref_slice %arg4[%add3A_172] : memref<52428800xf32, #tpu.memory_space<hbm>> -> memref<256xf32, #tpu.memory_space<hbm>>
      %dma_start3A_176 = tpu.memref_slice %arg5[%mul3A_170] : memref<24576xf32, #tpu.memory_space<vmem>> -> memref<256xf32, #tpu.memory_space<vmem>>
      tpu.enqueue_dma source(%dma_start3A_176 : memref<256xf32, #tpu.memory_space<vmem>>) target(%dma_start3A_175 : memref<256xf32, #tpu.memory_space<hbm>>) target_semaphore(%arg8 : memref<!tpu.dma_semaphore, #tpu.memory_space<semaphore_mem>>)
      %slice3A_177 = vector.extract_strided_slice %get3A_30 {offsets = [14], sizes = [1], strides = [1]} : vector<16xi32> to vector<1xi32>
      %squeeze3A_178 = vector.extract %slice3A_177[0] : i32 from vector<1xi32>
      %mul3A_179 = arith.constant 256 : i32
      %mul3A_180 = arith.muli %squeeze3A_178, %mul3A_179 : i32
      %add3A_181 = arith.constant 3584 : i32
      %add3A_182 = arith.addi %mul3A_39, %add3A_181 : i32
      %dma_start3A_183 = tpu.memref_slice %arg5[%mul3A_180] : memref<24576xf32, #tpu.memory_space<vmem>> -> memref<256xf32, #tpu.memory_space<vmem>>
      %dma_start3A_184 = tpu.memref_slice %arg4[%add3A_182] : memref<52428800xf32, #tpu.memory_space<hbm>> -> memref<256xf32, #tpu.memory_space<hbm>>
      %dma_start3A_185 = tpu.memref_slice %arg4[%add3A_182] : memref<52428800xf32, #tpu.memory_space<hbm>> -> memref<256xf32, #tpu.memory_space<hbm>>
      %dma_start3A_186 = tpu.memref_slice %arg5[%mul3A_180] : memref<24576xf32, #tpu.memory_space<vmem>> -> memref<256xf32, #tpu.memory_space<vmem>>
      tpu.enqueue_dma source(%dma_start3A_186 : memref<256xf32, #tpu.memory_space<vmem>>) target(%dma_start3A_185 : memref<256xf32, #tpu.memory_space<hbm>>) target_semaphore(%arg8 : memref<!tpu.dma_semaphore, #tpu.memory_space<semaphore_mem>>)
      %slice3A_187 = vector.extract_strided_slice %get3A_30 {offsets = [15], sizes = [1], strides = [1]} : vector<16xi32> to vector<1xi32>
      %squeeze3A_188 = vector.extract %slice3A_187[0] : i32 from vector<1xi32>
      %mul3A_189 = arith.constant 256 : i32
      %mul3A_190 = arith.muli %squeeze3A_188, %mul3A_189 : i32
      %add3A_191 = arith.constant 3840 : i32
      %add3A_192 = arith.addi %mul3A_39, %add3A_191 : i32
      %dma_start3A_193 = tpu.memref_slice %arg5[%mul3A_190] : memref<24576xf32, #tpu.memory_space<vmem>> -> memref<256xf32, #tpu.memory_space<vmem>>
      %dma_start3A_194 = tpu.memref_slice %arg4[%add3A_192] : memref<52428800xf32, #tpu.memory_space<hbm>> -> memref<256xf32, #tpu.memory_space<hbm>>
      %dma_start3A_195 = tpu.memref_slice %arg4[%add3A_192] : memref<52428800xf32, #tpu.memory_space<hbm>> -> memref<256xf32, #tpu.memory_space<hbm>>
      %dma_start3A_196 = tpu.memref_slice %arg5[%mul3A_190] : memref<24576xf32, #tpu.memory_space<vmem>> -> memref<256xf32, #tpu.memory_space<vmem>>
      tpu.enqueue_dma source(%dma_start3A_196 : memref<256xf32, #tpu.memory_space<vmem>>) target(%dma_start3A_195 : memref<256xf32, #tpu.memory_space<hbm>>) target_semaphore(%arg8 : memref<!tpu.dma_semaphore, #tpu.memory_space<semaphore_mem>>)
    }
    %scan3A_5 = arith.constant 8 : i32
    %scan3A_6 = arith.constant 0 : i32
    %scan3A_7 = arith.constant 0 : i32
    %scan3A_8 = arith.constant 8 : i32
    %scan3A_9 = arith.addi %scan3A_7, %scan3A_8 : i32
    %scan3A_10 = arith.constant 1 : i32
    scf.for %scan3A_25 = %scan3A_7 to %scan3A_9 step %scan3A_10  : i32 {
      %add3A_26 = arith.constant 8 : i32
      %add3A_27 = arith.addi %add3A_26, %scan3A_25 : i32
      %mul3A_28 = arith.constant 16 : i32
      %mul3A_29 = arith.muli %add3A_27, %mul3A_28 : i32
      %get3A = arith.index_cast %mul3A_29 : i32 to index
      %get3A_30 = tpu.vector_load %arg6[%get3A] {strides = array<i32>} : memref<6400xi32, #tpu.memory_space<vmem>>, vector<16xi32>,
      %add3A_31 = arith.constant 32 : i32
      %add3A_32 = arith.addi %add3A_31, %add3A : i32
      %mul3A_33 = arith.constant 128 : i32
      %mul3A_34 = arith.muli %add3A_32, %mul3A_33 : i32
      %mul3A_35 = arith.constant 16 : i32
      %mul3A_36 = arith.muli %scan3A_25, %mul3A_35 : i32
      %add3A_37 = arith.addi %mul3A_34, %mul3A_36 : i32
      %mul3A_38 = arith.constant 256 : i32
      %mul3A_39 = arith.muli %add3A_37, %mul3A_38 : i32
      %slice3A = vector.extract_strided_slice %get3A_30 {offsets = [0], sizes = [1], strides = [1]} : vector<16xi32> to vector<1xi32>
      %squeeze3A = vector.extract %slice3A[0] : i32 from vector<1xi32>
      %mul3A_40 = arith.constant 256 : i32
      %mul3A_41 = arith.muli %squeeze3A, %mul3A_40 : i32
      %add3A_42 = arith.constant 0 : i32
      %add3A_43 = arith.addi %mul3A_39, %add3A_42 : i32
      %dma_start3A = tpu.memref_slice %arg5[%mul3A_41] : memref<24576xf32, #tpu.memory_space<vmem>> -> memref<256xf32, #tpu.memory_space<vmem>>
      %dma_start3A_44 = tpu.memref_slice %arg4[%add3A_43] : memref<52428800xf32, #tpu.memory_space<hbm>> -> memref<256xf32, #tpu.memory_space<hbm>>
      %dma_start3A_45 = tpu.memref_slice %arg4[%add3A_43] : memref<52428800xf32, #tpu.memory_space<hbm>> -> memref<256xf32, #tpu.memory_space<hbm>>
      %dma_start3A_46 = tpu.memref_slice %arg5[%mul3A_41] : memref<24576xf32, #tpu.memory_space<vmem>> -> memref<256xf32, #tpu.memory_space<vmem>>
      tpu.enqueue_dma source(%dma_start3A_46 : memref<256xf32, #tpu.memory_space<vmem>>) target(%dma_start3A_45 : memref<256xf32, #tpu.memory_space<hbm>>) target_semaphore(%arg9 : memref<!tpu.dma_semaphore, #tpu.memory_space<semaphore_mem>>)
      %slice3A_47 = vector.extract_strided_slice %get3A_30 {offsets = [1], sizes = [1], strides = [1]} : vector<16xi32> to vector<1xi32>
      %squeeze3A_48 = vector.extract %slice3A_47[0] : i32 from vector<1xi32>
      %mul3A_49 = arith.constant 256 : i32
      %mul3A_50 = arith.muli %squeeze3A_48, %mul3A_49 : i32
      %add3A_51 = arith.constant 256 : i32
      %add3A_52 = arith.addi %mul3A_39, %add3A_51 : i32
      %dma_start3A_53 = tpu.memref_slice %arg5[%mul3A_50] : memref<24576xf32, #tpu.memory_space<vmem>> -> memref<256xf32, #tpu.memory_space<vmem>>
      %dma_start3A_54 = tpu.memref_slice %arg4[%add3A_52] : memref<52428800xf32, #tpu.memory_space<hbm>> -> memref<256xf32, #tpu.memory_space<hbm>>
      %dma_start3A_55 = tpu.memref_slice %arg4[%add3A_52] : memref<52428800xf32, #tpu.memory_space<hbm>> -> memref<256xf32, #tpu.memory_space<hbm>>
      %dma_start3A_56 = tpu.memref_slice %arg5[%mul3A_50] : memref<24576xf32, #tpu.memory_space<vmem>> -> memref<256xf32, #tpu.memory_space<vmem>>
      tpu.enqueue_dma source(%dma_start3A_56 : memref<256xf32, #tpu.memory_space<vmem>>) target(%dma_start3A_55 : memref<256xf32, #tpu.memory_space<hbm>>) target_semaphore(%arg9 : memref<!tpu.dma_semaphore, #tpu.memory_space<semaphore_mem>>)
      %slice3A_57 = vector.extract_strided_slice %get3A_30 {offsets = [2], sizes = [1], strides = [1]} : vector<16xi32> to vector<1xi32>
      %squeeze3A_58 = vector.extract %slice3A_57[0] : i32 from vector<1xi32>
      %mul3A_59 = arith.constant 256 : i32
      %mul3A_60 = arith.muli %squeeze3A_58, %mul3A_59 : i32
      %add3A_61 = arith.constant 512 : i32
      %add3A_62 = arith.addi %mul3A_39, %add3A_61 : i32
      %dma_start3A_63 = tpu.memref_slice %arg5[%mul3A_60] : memref<24576xf32, #tpu.memory_space<vmem>> -> memref<256xf32, #tpu.memory_space<vmem>>
      %dma_start3A_64 = tpu.memref_slice %arg4[%add3A_62] : memref<52428800xf32, #tpu.memory_space<hbm>> -> memref<256xf32, #tpu.memory_space<hbm>>
      %dma_start3A_65 = tpu.memref_slice %arg4[%add3A_62] : memref<52428800xf32, #tpu.memory_space<hbm>> -> memref<256xf32, #tpu.memory_space<hbm>>
      %dma_start3A_66 = tpu.memref_slice %arg5[%mul3A_60] : memref<24576xf32, #tpu.memory_space<vmem>> -> memref<256xf32, #tpu.memory_space<vmem>>
      tpu.enqueue_dma source(%dma_start3A_66 : memref<256xf32, #tpu.memory_space<vmem>>) target(%dma_start3A_65 : memref<256xf32, #tpu.memory_space<hbm>>) target_semaphore(%arg9 : memref<!tpu.dma_semaphore, #tpu.memory_space<semaphore_mem>>)
      %slice3A_67 = vector.extract_strided_slice %get3A_30 {offsets = [3], sizes = [1], strides = [1]} : vector<16xi32> to vector<1xi32>
      %squeeze3A_68 = vector.extract %slice3A_67[0] : i32 from vector<1xi32>
      %mul3A_69 = arith.constant 256 : i32
      %mul3A_70 = arith.muli %squeeze3A_68, %mul3A_69 : i32
      %add3A_71 = arith.constant 768 : i32
      %add3A_72 = arith.addi %mul3A_39, %add3A_71 : i32
      %dma_start3A_73 = tpu.memref_slice %arg5[%mul3A_70] : memref<24576xf32, #tpu.memory_space<vmem>> -> memref<256xf32, #tpu.memory_space<vmem>>
      %dma_start3A_74 = tpu.memref_slice %arg4[%add3A_72] : memref<52428800xf32, #tpu.memory_space<hbm>> -> memref<256xf32, #tpu.memory_space<hbm>>
      %dma_start3A_75 = tpu.memref_slice %arg4[%add3A_72] : memref<52428800xf32, #tpu.memory_space<hbm>> -> memref<256xf32, #tpu.memory_space<hbm>>
      %dma_start3A_76 = tpu.memref_slice %arg5[%mul3A_70] : memref<24576xf32, #tpu.memory_space<vmem>> -> memref<256xf32, #tpu.memory_space<vmem>>
      tpu.enqueue_dma source(%dma_start3A_76 : memref<256xf32, #tpu.memory_space<vmem>>) target(%dma_start3A_75 : memref<256xf32, #tpu.memory_space<hbm>>) target_semaphore(%arg9 : memref<!tpu.dma_semaphore, #tpu.memory_space<semaphore_mem>>)
      %slice3A_77 = vector.extract_strided_slice %get3A_30 {offsets = [4], sizes = [1], strides = [1]} : vector<16xi32> to vector<1xi32>
      %squeeze3A_78 = vector.extract %slice3A_77[0] : i32 from vector<1xi32>
      %mul3A_79 = arith.constant 256 : i32
      %mul3A_80 = arith.muli %squeeze3A_78, %mul3A_79 : i32
      %add3A_81 = arith.constant 1024 : i32
      %add3A_82 = arith.addi %mul3A_39, %add3A_81 : i32
      %dma_start3A_83 = tpu.memref_slice %arg5[%mul3A_80] : memref<24576xf32, #tpu.memory_space<vmem>> -> memref<256xf32, #tpu.memory_space<vmem>>
      %dma_start3A_84 = tpu.memref_slice %arg4[%add3A_82] : memref<52428800xf32, #tpu.memory_space<hbm>> -> memref<256xf32, #tpu.memory_space<hbm>>
      %dma_start3A_85 = tpu.memref_slice %arg4[%add3A_82] : memref<52428800xf32, #tpu.memory_space<hbm>> -> memref<256xf32, #tpu.memory_space<hbm>>
      %dma_start3A_86 = tpu.memref_slice %arg5[%mul3A_80] : memref<24576xf32, #tpu.memory_space<vmem>> -> memref<256xf32, #tpu.memory_space<vmem>>
      tpu.enqueue_dma source(%dma_start3A_86 : memref<256xf32, #tpu.memory_space<vmem>>) target(%dma_start3A_85 : memref<256xf32, #tpu.memory_space<hbm>>) target_semaphore(%arg9 : memref<!tpu.dma_semaphore, #tpu.memory_space<semaphore_mem>>)
      %slice3A_87 = vector.extract_strided_slice %get3A_30 {offsets = [5], sizes = [1], strides = [1]} : vector<16xi32> to vector<1xi32>
      %squeeze3A_88 = vector.extract %slice3A_87[0] : i32 from vector<1xi32>
      %mul3A_89 = arith.constant 256 : i32
      %mul3A_90 = arith.muli %squeeze3A_88, %mul3A_89 : i32
      %add3A_91 = arith.constant 1280 : i32
      %add3A_92 = arith.addi %mul3A_39, %add3A_91 : i32
      %dma_start3A_93 = tpu.memref_slice %arg5[%mul3A_90] : memref<24576xf32, #tpu.memory_space<vmem>> -> memref<256xf32, #tpu.memory_space<vmem>>
      %dma_start3A_94 = tpu.memref_slice %arg4[%add3A_92] : memref<52428800xf32, #tpu.memory_space<hbm>> -> memref<256xf32, #tpu.memory_space<hbm>>
      %dma_start3A_95 = tpu.memref_slice %arg4[%add3A_92] : memref<52428800xf32, #tpu.memory_space<hbm>> -> memref<256xf32, #tpu.memory_space<hbm>>
      %dma_start3A_96 = tpu.memref_slice %arg5[%mul3A_90] : memref<24576xf32, #tpu.memory_space<vmem>> -> memref<256xf32, #tpu.memory_space<vmem>>
      tpu.enqueue_dma source(%dma_start3A_96 : memref<256xf32, #tpu.memory_space<vmem>>) target(%dma_start3A_95 : memref<256xf32, #tpu.memory_space<hbm>>) target_semaphore(%arg9 : memref<!tpu.dma_semaphore, #tpu.memory_space<semaphore_mem>>)
      %slice3A_97 = vector.extract_strided_slice %get3A_30 {offsets = [6], sizes = [1], strides = [1]} : vector<16xi32> to vector<1xi32>
      %squeeze3A_98 = vector.extract %slice3A_97[0] : i32 from vector<1xi32>
      %mul3A_99 = arith.constant 256 : i32
      %mul3A_100 = arith.muli %squeeze3A_98, %mul3A_99 : i32
      %add3A_101 = arith.constant 1536 : i32
      %add3A_102 = arith.addi %mul3A_39, %add3A_101 : i32
      %dma_start3A_103 = tpu.memref_slice %arg5[%mul3A_100] : memref<24576xf32, #tpu.memory_space<vmem>> -> memref<256xf32, #tpu.memory_space<vmem>>
      %dma_start3A_104 = tpu.memref_slice %arg4[%add3A_102] : memref<52428800xf32, #tpu.memory_space<hbm>> -> memref<256xf32, #tpu.memory_space<hbm>>
      %dma_start3A_105 = tpu.memref_slice %arg4[%add3A_102] : memref<52428800xf32, #tpu.memory_space<hbm>> -> memref<256xf32, #tpu.memory_space<hbm>>
      %dma_start3A_106 = tpu.memref_slice %arg5[%mul3A_100] : memref<24576xf32, #tpu.memory_space<vmem>> -> memref<256xf32, #tpu.memory_space<vmem>>
      tpu.enqueue_dma source(%dma_start3A_106 : memref<256xf32, #tpu.memory_space<vmem>>) target(%dma_start3A_105 : memref<256xf32, #tpu.memory_space<hbm>>) target_semaphore(%arg9 : memref<!tpu.dma_semaphore, #tpu.memory_space<semaphore_mem>>)
      %slice3A_107 = vector.extract_strided_slice %get3A_30 {offsets = [7], sizes = [1], strides = [1]} : vector<16xi32> to vector<1xi32>
      %squeeze3A_108 = vector.extract %slice3A_107[0] : i32 from vector<1xi32>
      %mul3A_109 = arith.constant 256 : i32
      %mul3A_110 = arith.muli %squeeze3A_108, %mul3A_109 : i32
      %add3A_111 = arith.constant 1792 : i32
      %add3A_112 = arith.addi %mul3A_39, %add3A_111 : i32
      %dma_start3A_113 = tpu.memref_slice %arg5[%mul3A_110] : memref<24576xf32, #tpu.memory_space<vmem>> -> memref<256xf32, #tpu.memory_space<vmem>>
      %dma_start3A_114 = tpu.memref_slice %arg4[%add3A_112] : memref<52428800xf32, #tpu.memory_space<hbm>> -> memref<256xf32, #tpu.memory_space<hbm>>
      %dma_start3A_115 = tpu.memref_slice %arg4[%add3A_112] : memref<52428800xf32, #tpu.memory_space<hbm>> -> memref<256xf32, #tpu.memory_space<hbm>>
      %dma_start3A_116 = tpu.memref_slice %arg5[%mul3A_110] : memref<24576xf32, #tpu.memory_space<vmem>> -> memref<256xf32, #tpu.memory_space<vmem>>
      tpu.enqueue_dma source(%dma_start3A_116 : memref<256xf32, #tpu.memory_space<vmem>>) target(%dma_start3A_115 : memref<256xf32, #tpu.memory_space<hbm>>) target_semaphore(%arg9 : memref<!tpu.dma_semaphore, #tpu.memory_space<semaphore_mem>>)
      %slice3A_117 = vector.extract_strided_slice %get3A_30 {offsets = [8], sizes = [1], strides = [1]} : vector<16xi32> to vector<1xi32>
      %squeeze3A_118 = vector.extract %slice3A_117[0] : i32 from vector<1xi32>
      %mul3A_119 = arith.constant 256 : i32
      %mul3A_120 = arith.muli %squeeze3A_118, %mul3A_119 : i32
      %add3A_121 = arith.constant 2048 : i32
      %add3A_122 = arith.addi %mul3A_39, %add3A_121 : i32
      %dma_start3A_123 = tpu.memref_slice %arg5[%mul3A_120] : memref<24576xf32, #tpu.memory_space<vmem>> -> memref<256xf32, #tpu.memory_space<vmem>>
      %dma_start3A_124 = tpu.memref_slice %arg4[%add3A_122] : memref<52428800xf32, #tpu.memory_space<hbm>> -> memref<256xf32, #tpu.memory_space<hbm>>
      %dma_start3A_125 = tpu.memref_slice %arg4[%add3A_122] : memref<52428800xf32, #tpu.memory_space<hbm>> -> memref<256xf32, #tpu.memory_space<hbm>>
      %dma_start3A_126 = tpu.memref_slice %arg5[%mul3A_120] : memref<24576xf32, #tpu.memory_space<vmem>> -> memref<256xf32, #tpu.memory_space<vmem>>
      tpu.enqueue_dma source(%dma_start3A_126 : memref<256xf32, #tpu.memory_space<vmem>>) target(%dma_start3A_125 : memref<256xf32, #tpu.memory_space<hbm>>) target_semaphore(%arg9 : memref<!tpu.dma_semaphore, #tpu.memory_space<semaphore_mem>>)
      %slice3A_127 = vector.extract_strided_slice %get3A_30 {offsets = [9], sizes = [1], strides = [1]} : vector<16xi32> to vector<1xi32>
      %squeeze3A_128 = vector.extract %slice3A_127[0] : i32 from vector<1xi32>
      %mul3A_129 = arith.constant 256 : i32
      %mul3A_130 = arith.muli %squeeze3A_128, %mul3A_129 : i32
      %add3A_131 = arith.constant 2304 : i32
      %add3A_132 = arith.addi %mul3A_39, %add3A_131 : i32
      %dma_start3A_133 = tpu.memref_slice %arg5[%mul3A_130] : memref<24576xf32, #tpu.memory_space<vmem>> -> memref<256xf32, #tpu.memory_space<vmem>>
      %dma_start3A_134 = tpu.memref_slice %arg4[%add3A_132] : memref<52428800xf32, #tpu.memory_space<hbm>> -> memref<256xf32, #tpu.memory_space<hbm>>
      %dma_start3A_135 = tpu.memref_slice %arg4[%add3A_132] : memref<52428800xf32, #tpu.memory_space<hbm>> -> memref<256xf32, #tpu.memory_space<hbm>>
      %dma_start3A_136 = tpu.memref_slice %arg5[%mul3A_130] : memref<24576xf32, #tpu.memory_space<vmem>> -> memref<256xf32, #tpu.memory_space<vmem>>
      tpu.enqueue_dma source(%dma_start3A_136 : memref<256xf32, #tpu.memory_space<vmem>>) target(%dma_start3A_135 : memref<256xf32, #tpu.memory_space<hbm>>) target_semaphore(%arg9 : memref<!tpu.dma_semaphore, #tpu.memory_space<semaphore_mem>>)
      %slice3A_137 = vector.extract_strided_slice %get3A_30 {offsets = [10], sizes = [1], strides = [1]} : vector<16xi32> to vector<1xi32>
      %squeeze3A_138 = vector.extract %slice3A_137[0] : i32 from vector<1xi32>
      %mul3A_139 = arith.constant 256 : i32
      %mul3A_140 = arith.muli %squeeze3A_138, %mul3A_139 : i32
      %add3A_141 = arith.constant 2560 : i32
      %add3A_142 = arith.addi %mul3A_39, %add3A_141 : i32
      %dma_start3A_143 = tpu.memref_slice %arg5[%mul3A_140] : memref<24576xf32, #tpu.memory_space<vmem>> -> memref<256xf32, #tpu.memory_space<vmem>>
      %dma_start3A_144 = tpu.memref_slice %arg4[%add3A_142] : memref<52428800xf32, #tpu.memory_space<hbm>> -> memref<256xf32, #tpu.memory_space<hbm>>
      %dma_start3A_145 = tpu.memref_slice %arg4[%add3A_142] : memref<52428800xf32, #tpu.memory_space<hbm>> -> memref<256xf32, #tpu.memory_space<hbm>>
      %dma_start3A_146 = tpu.memref_slice %arg5[%mul3A_140] : memref<24576xf32, #tpu.memory_space<vmem>> -> memref<256xf32, #tpu.memory_space<vmem>>
      tpu.enqueue_dma source(%dma_start3A_146 : memref<256xf32, #tpu.memory_space<vmem>>) target(%dma_start3A_145 : memref<256xf32, #tpu.memory_space<hbm>>) target_semaphore(%arg9 : memref<!tpu.dma_semaphore, #tpu.memory_space<semaphore_mem>>)
      %slice3A_147 = vector.extract_strided_slice %get3A_30 {offsets = [11], sizes = [1], strides = [1]} : vector<16xi32> to vector<1xi32>
      %squeeze3A_148 = vector.extract %slice3A_147[0] : i32 from vector<1xi32>
      %mul3A_149 = arith.constant 256 : i32
      %mul3A_150 = arith.muli %squeeze3A_148, %mul3A_149 : i32
      %add3A_151 = arith.constant 2816 : i32
      %add3A_152 = arith.addi %mul3A_39, %add3A_151 : i32
      %dma_start3A_153 = tpu.memref_slice %arg5[%mul3A_150] : memref<24576xf32, #tpu.memory_space<vmem>> -> memref<256xf32, #tpu.memory_space<vmem>>
      %dma_start3A_154 = tpu.memref_slice %arg4[%add3A_152] : memref<52428800xf32, #tpu.memory_space<hbm>> -> memref<256xf32, #tpu.memory_space<hbm>>
      %dma_start3A_155 = tpu.memref_slice %arg4[%add3A_152] : memref<52428800xf32, #tpu.memory_space<hbm>> -> memref<256xf32, #tpu.memory_space<hbm>>
      %dma_start3A_156 = tpu.memref_slice %arg5[%mul3A_150] : memref<24576xf32, #tpu.memory_space<vmem>> -> memref<256xf32, #tpu.memory_space<vmem>>
      tpu.enqueue_dma source(%dma_start3A_156 : memref<256xf32, #tpu.memory_space<vmem>>) target(%dma_start3A_155 : memref<256xf32, #tpu.memory_space<hbm>>) target_semaphore(%arg9 : memref<!tpu.dma_semaphore, #tpu.memory_space<semaphore_mem>>)
      %slice3A_157 = vector.extract_strided_slice %get3A_30 {offsets = [12], sizes = [1], strides = [1]} : vector<16xi32> to vector<1xi32>
      %squeeze3A_158 = vector.extract %slice3A_157[0] : i32 from vector<1xi32>
      %mul3A_159 = arith.constant 256 : i32
      %mul3A_160 = arith.muli %squeeze3A_158, %mul3A_159 : i32
      %add3A_161 = arith.constant 3072 : i32
      %add3A_162 = arith.addi %mul3A_39, %add3A_161 : i32
      %dma_start3A_163 = tpu.memref_slice %arg5[%mul3A_160] : memref<24576xf32, #tpu.memory_space<vmem>> -> memref<256xf32, #tpu.memory_space<vmem>>
      %dma_start3A_164 = tpu.memref_slice %arg4[%add3A_162] : memref<52428800xf32, #tpu.memory_space<hbm>> -> memref<256xf32, #tpu.memory_space<hbm>>
      %dma_start3A_165 = tpu.memref_slice %arg4[%add3A_162] : memref<52428800xf32, #tpu.memory_space<hbm>> -> memref<256xf32, #tpu.memory_space<hbm>>
      %dma_start3A_166 = tpu.memref_slice %arg5[%mul3A_160] : memref<24576xf32, #tpu.memory_space<vmem>> -> memref<256xf32, #tpu.memory_space<vmem>>
      tpu.enqueue_dma source(%dma_start3A_166 : memref<256xf32, #tpu.memory_space<vmem>>) target(%dma_start3A_165 : memref<256xf32, #tpu.memory_space<hbm>>) target_semaphore(%arg9 : memref<!tpu.dma_semaphore, #tpu.memory_space<semaphore_mem>>)
      %slice3A_167 = vector.extract_strided_slice %get3A_30 {offsets = [13], sizes = [1], strides = [1]} : vector<16xi32> to vector<1xi32>
      %squeeze3A_168 = vector.extract %slice3A_167[0] : i32 from vector<1xi32>
      %mul3A_169 = arith.constant 256 : i32
      %mul3A_170 = arith.muli %squeeze3A_168, %mul3A_169 : i32
      %add3A_171 = arith.constant 3328 : i32
      %add3A_172 = arith.addi %mul3A_39, %add3A_171 : i32
      %dma_start3A_173 = tpu.memref_slice %arg5[%mul3A_170] : memref<24576xf32, #tpu.memory_space<vmem>> -> memref<256xf32, #tpu.memory_space<vmem>>
      %dma_start3A_174 = tpu.memref_slice %arg4[%add3A_172] : memref<52428800xf32, #tpu.memory_space<hbm>> -> memref<256xf32, #tpu.memory_space<hbm>>
      %dma_start3A_175 = tpu.memref_slice %arg4[%add3A_172] : memref<52428800xf32, #tpu.memory_space<hbm>> -> memref<256xf32, #tpu.memory_space<hbm>>
      %dma_start3A_176 = tpu.memref_slice %arg5[%mul3A_170] : memref<24576xf32, #tpu.memory_space<vmem>> -> memref<256xf32, #tpu.memory_space<vmem>>
      tpu.enqueue_dma source(%dma_start3A_176 : memref<256xf32, #tpu.memory_space<vmem>>) target(%dma_start3A_175 : memref<256xf32, #tpu.memory_space<hbm>>) target_semaphore(%arg9 : memref<!tpu.dma_semaphore, #tpu.memory_space<semaphore_mem>>)
      %slice3A_177 = vector.extract_strided_slice %get3A_30 {offsets = [14], sizes = [1], strides = [1]} : vector<16xi32> to vector<1xi32>
      %squeeze3A_178 = vector.extract %slice3A_177[0] : i32 from vector<1xi32>
      %mul3A_179 = arith.constant 256 : i32
      %mul3A_180 = arith.muli %squeeze3A_178, %mul3A_179 : i32
      %add3A_181 = arith.constant 3584 : i32
      %add3A_182 = arith.addi %mul3A_39, %add3A_181 : i32
      %dma_start3A_183 = tpu.memref_slice %arg5[%mul3A_180] : memref<24576xf32, #tpu.memory_space<vmem>> -> memref<256xf32, #tpu.memory_space<vmem>>
      %dma_start3A_184 = tpu.memref_slice %arg4[%add3A_182] : memref<52428800xf32, #tpu.memory_space<hbm>> -> memref<256xf32, #tpu.memory_space<hbm>>
      %dma_start3A_185 = tpu.memref_slice %arg4[%add3A_182] : memref<52428800xf32, #tpu.memory_space<hbm>> -> memref<256xf32, #tpu.memory_space<hbm>>
      %dma_start3A_186 = tpu.memref_slice %arg5[%mul3A_180] : memref<24576xf32, #tpu.memory_space<vmem>> -> memref<256xf32, #tpu.memory_space<vmem>>
      tpu.enqueue_dma source(%dma_start3A_186 : memref<256xf32, #tpu.memory_space<vmem>>) target(%dma_start3A_185 : memref<256xf32, #tpu.memory_space<hbm>>) target_semaphore(%arg9 : memref<!tpu.dma_semaphore, #tpu.memory_space<semaphore_mem>>)
      %slice3A_187 = vector.extract_strided_slice %get3A_30 {offsets = [15], sizes = [1], strides = [1]} : vector<16xi32> to vector<1xi32>
      %squeeze3A_188 = vector.extract %slice3A_187[0] : i32 from vector<1xi32>
      %mul3A_189 = arith.constant 256 : i32
      %mul3A_190 = arith.muli %squeeze3A_188, %mul3A_189 : i32
      %add3A_191 = arith.constant 3840 : i32
      %add3A_192 = arith.addi %mul3A_39, %add3A_191 : i32
      %dma_start3A_193 = tpu.memref_slice %arg5[%mul3A_190] : memref<24576xf32, #tpu.memory_space<vmem>> -> memref<256xf32, #tpu.memory_space<vmem>>
      %dma_start3A_194 = tpu.memref_slice %arg4[%add3A_192] : memref<52428800xf32, #tpu.memory_space<hbm>> -> memref<256xf32, #tpu.memory_space<hbm>>
      %dma_start3A_195 = tpu.memref_slice %arg4[%add3A_192] : memref<52428800xf32, #tpu.memory_space<hbm>> -> memref<256xf32, #tpu.memory_space<hbm>>
      %dma_start3A_196 = tpu.memref_slice %arg5[%mul3A_190] : memref<24576xf32, #tpu.memory_space<vmem>> -> memref<256xf32, #tpu.memory_space<vmem>>
      tpu.enqueue_dma source(%dma_start3A_196 : memref<256xf32, #tpu.memory_space<vmem>>) target(%dma_start3A_195 : memref<256xf32, #tpu.memory_space<hbm>>) target_semaphore(%arg9 : memref<!tpu.dma_semaphore, #tpu.memory_space<semaphore_mem>>)
    }
    %scan3A_11 = arith.constant 8 : i32
    %scan3A_12 = arith.constant 0 : i32
    %scan3A_13 = arith.constant 1 : i32
    %scan3A_14 = arith.constant 24 : i32
    %scan3A_15 = arith.addi %scan3A_13, %scan3A_14 : i32
    %scan3A_16 = arith.constant 1 : i32
    scf.for %scan3A_25 = %scan3A_13 to %scan3A_15 step %scan3A_16  : i32 {
      %mul3A_26 = arith.constant 2 : i32
      %mul3A_27 = arith.muli %scan3A_25, %mul3A_26 : i32
      %add3A_28 = arith.constant 0 : i32
      %add3A_29 = arith.addi %mul3A_27, %add3A_28 : i32
      %dma_wait3A_30 = arith.constant 0 : i32
      %dma_wait3A_31 = tpu.memref_slice %arg4[%dma_wait3A_30] : memref<52428800xf32, #tpu.memory_space<hbm>> -> memref<32768xf32, #tpu.memory_space<hbm>>
      %dma_wait3A_32 = arith.constant 0 : i32
      %dma_wait3A_33 = tpu.memref_slice %arg4[%dma_wait3A_32] : memref<52428800xf32, #tpu.memory_space<hbm>> -> memref<32768xf32, #tpu.memory_space<hbm>>
      tpu.wait_dma2 semaphore(%arg8 : memref<!tpu.dma_semaphore, #tpu.memory_space<semaphore_mem>>) src(%dma_wait3A_33 : memref<32768xf32, #tpu.memory_space<hbm>>) dst(%arg7 : memref<32768xf32, #tpu.memory_space<vmem>>)
      %scan3A_34 = arith.constant 0 : i32
      %scan3A_35 = arith.constant 0 : i32
      %scan3A_36 = arith.constant 8 : i32
      %scan3A_37 = arith.addi %scan3A_35, %scan3A_36 : i32
      %scan3A_38 = arith.constant 1 : i32
      scf.for %scan3A_54 = %scan3A_35 to %scan3A_37 step %scan3A_38  : i32 {
        %mul3A_55 = arith.constant 8 : i32
        %mul3A_56 = arith.muli %add3A_29, %mul3A_55 : i32
        %add3A_57 = arith.addi %mul3A_56, %scan3A_54 : i32
        %mul3A_58 = arith.constant 16 : i32
        %mul3A_59 = arith.muli %add3A_57, %mul3A_58 : i32
        %get3A = arith.index_cast %mul3A_59 : i32 to index
        %get3A_60 = tpu.vector_load %arg6[%get3A] {strides = array<i32>} : memref<6400xi32, #tpu.memory_space<vmem>>, vector<16xi32>,
        %mul3A_61 = arith.constant 32 : i32
        %mul3A_62 = arith.muli %add3A_29, %mul3A_61 : i32
        %add3A_63 = arith.addi %mul3A_62, %add3A : i32
        %mul3A_64 = arith.constant 128 : i32
        %mul3A_65 = arith.muli %add3A_63, %mul3A_64 : i32
        %mul3A_66 = arith.constant 16 : i32
        %mul3A_67 = arith.muli %scan3A_54, %mul3A_66 : i32
        %add3A_68 = arith.addi %mul3A_65, %mul3A_67 : i32
        %mul3A_69 = arith.constant 256 : i32
        %mul3A_70 = arith.muli %add3A_68, %mul3A_69 : i32
        %slice3A = vector.extract_strided_slice %get3A_60 {offsets = [0], sizes = [1], strides = [1]} : vector<16xi32> to vector<1xi32>
        %squeeze3A = vector.extract %slice3A[0] : i32 from vector<1xi32>
        %mul3A_71 = arith.constant 256 : i32
        %mul3A_72 = arith.muli %squeeze3A, %mul3A_71 : i32
        %add3A_73 = arith.constant 0 : i32
        %add3A_74 = arith.addi %mul3A_70, %add3A_73 : i32
        %dma_start3A = tpu.memref_slice %arg5[%mul3A_72] : memref<24576xf32, #tpu.memory_space<vmem>> -> memref<256xf32, #tpu.memory_space<vmem>>
        %dma_start3A_75 = tpu.memref_slice %arg4[%add3A_74] : memref<52428800xf32, #tpu.memory_space<hbm>> -> memref<256xf32, #tpu.memory_space<hbm>>
        %dma_start3A_76 = tpu.memref_slice %arg4[%add3A_74] : memref<52428800xf32, #tpu.memory_space<hbm>> -> memref<256xf32, #tpu.memory_space<hbm>>
        %dma_start3A_77 = tpu.memref_slice %arg5[%mul3A_72] : memref<24576xf32, #tpu.memory_space<vmem>> -> memref<256xf32, #tpu.memory_space<vmem>>
        tpu.enqueue_dma source(%dma_start3A_77 : memref<256xf32, #tpu.memory_space<vmem>>) target(%dma_start3A_76 : memref<256xf32, #tpu.memory_space<hbm>>) target_semaphore(%arg8 : memref<!tpu.dma_semaphore, #tpu.memory_space<semaphore_mem>>)
        %slice3A_78 = vector.extract_strided_slice %get3A_60 {offsets = [1], sizes = [1], strides = [1]} : vector<16xi32> to vector<1xi32>
        %squeeze3A_79 = vector.extract %slice3A_78[0] : i32 from vector<1xi32>
        %mul3A_80 = arith.constant 256 : i32
        %mul3A_81 = arith.muli %squeeze3A_79, %mul3A_80 : i32
        %add3A_82 = arith.constant 256 : i32
        %add3A_83 = arith.addi %mul3A_70, %add3A_82 : i32
        %dma_start3A_84 = tpu.memref_slice %arg5[%mul3A_81] : memref<24576xf32, #tpu.memory_space<vmem>> -> memref<256xf32, #tpu.memory_space<vmem>>
        %dma_start3A_85 = tpu.memref_slice %arg4[%add3A_83] : memref<52428800xf32, #tpu.memory_space<hbm>> -> memref<256xf32, #tpu.memory_space<hbm>>
        %dma_start3A_86 = tpu.memref_slice %arg4[%add3A_83] : memref<52428800xf32, #tpu.memory_space<hbm>> -> memref<256xf32, #tpu.memory_space<hbm>>
        %dma_start3A_87 = tpu.memref_slice %arg5[%mul3A_81] : memref<24576xf32, #tpu.memory_space<vmem>> -> memref<256xf32, #tpu.memory_space<vmem>>
        tpu.enqueue_dma source(%dma_start3A_87 : memref<256xf32, #tpu.memory_space<vmem>>) target(%dma_start3A_86 : memref<256xf32, #tpu.memory_space<hbm>>) target_semaphore(%arg8 : memref<!tpu.dma_semaphore, #tpu.memory_space<semaphore_mem>>)
        %slice3A_88 = vector.extract_strided_slice %get3A_60 {offsets = [2], sizes = [1], strides = [1]} : vector<16xi32> to vector<1xi32>
        %squeeze3A_89 = vector.extract %slice3A_88[0] : i32 from vector<1xi32>
        %mul3A_90 = arith.constant 256 : i32
        %mul3A_91 = arith.muli %squeeze3A_89, %mul3A_90 : i32
        %add3A_92 = arith.constant 512 : i32
        %add3A_93 = arith.addi %mul3A_70, %add3A_92 : i32
        %dma_start3A_94 = tpu.memref_slice %arg5[%mul3A_91] : memref<24576xf32, #tpu.memory_space<vmem>> -> memref<256xf32, #tpu.memory_space<vmem>>
        %dma_start3A_95 = tpu.memref_slice %arg4[%add3A_93] : memref<52428800xf32, #tpu.memory_space<hbm>> -> memref<256xf32, #tpu.memory_space<hbm>>
        %dma_start3A_96 = tpu.memref_slice %arg4[%add3A_93] : memref<52428800xf32, #tpu.memory_space<hbm>> -> memref<256xf32, #tpu.memory_space<hbm>>
        %dma_start3A_97 = tpu.memref_slice %arg5[%mul3A_91] : memref<24576xf32, #tpu.memory_space<vmem>> -> memref<256xf32, #tpu.memory_space<vmem>>
        tpu.enqueue_dma source(%dma_start3A_97 : memref<256xf32, #tpu.memory_space<vmem>>) target(%dma_start3A_96 : memref<256xf32, #tpu.memory_space<hbm>>) target_semaphore(%arg8 : memref<!tpu.dma_semaphore, #tpu.memory_space<semaphore_mem>>)
        %slice3A_98 = vector.extract_strided_slice %get3A_60 {offsets = [3], sizes = [1], strides = [1]} : vector<16xi32> to vector<1xi32>
        %squeeze3A_99 = vector.extract %slice3A_98[0] : i32 from vector<1xi32>
        %mul3A_100 = arith.constant 256 : i32
        %mul3A_101 = arith.muli %squeeze3A_99, %mul3A_100 : i32
        %add3A_102 = arith.constant 768 : i32
        %add3A_103 = arith.addi %mul3A_70, %add3A_102 : i32
        %dma_start3A_104 = tpu.memref_slice %arg5[%mul3A_101] : memref<24576xf32, #tpu.memory_space<vmem>> -> memref<256xf32, #tpu.memory_space<vmem>>
        %dma_start3A_105 = tpu.memref_slice %arg4[%add3A_103] : memref<52428800xf32, #tpu.memory_space<hbm>> -> memref<256xf32, #tpu.memory_space<hbm>>
        %dma_start3A_106 = tpu.memref_slice %arg4[%add3A_103] : memref<52428800xf32, #tpu.memory_space<hbm>> -> memref<256xf32, #tpu.memory_space<hbm>>
        %dma_start3A_107 = tpu.memref_slice %arg5[%mul3A_101] : memref<24576xf32, #tpu.memory_space<vmem>> -> memref<256xf32, #tpu.memory_space<vmem>>
        tpu.enqueue_dma source(%dma_start3A_107 : memref<256xf32, #tpu.memory_space<vmem>>) target(%dma_start3A_106 : memref<256xf32, #tpu.memory_space<hbm>>) target_semaphore(%arg8 : memref<!tpu.dma_semaphore, #tpu.memory_space<semaphore_mem>>)
        %slice3A_108 = vector.extract_strided_slice %get3A_60 {offsets = [4], sizes = [1], strides = [1]} : vector<16xi32> to vector<1xi32>
        %squeeze3A_109 = vector.extract %slice3A_108[0] : i32 from vector<1xi32>
        %mul3A_110 = arith.constant 256 : i32
        %mul3A_111 = arith.muli %squeeze3A_109, %mul3A_110 : i32
        %add3A_112 = arith.constant 1024 : i32
        %add3A_113 = arith.addi %mul3A_70, %add3A_112 : i32
        %dma_start3A_114 = tpu.memref_slice %arg5[%mul3A_111] : memref<24576xf32, #tpu.memory_space<vmem>> -> memref<256xf32, #tpu.memory_space<vmem>>
        %dma_start3A_115 = tpu.memref_slice %arg4[%add3A_113] : memref<52428800xf32, #tpu.memory_space<hbm>> -> memref<256xf32, #tpu.memory_space<hbm>>
        %dma_start3A_116 = tpu.memref_slice %arg4[%add3A_113] : memref<52428800xf32, #tpu.memory_space<hbm>> -> memref<256xf32, #tpu.memory_space<hbm>>
        %dma_start3A_117 = tpu.memref_slice %arg5[%mul3A_111] : memref<24576xf32, #tpu.memory_space<vmem>> -> memref<256xf32, #tpu.memory_space<vmem>>
        tpu.enqueue_dma source(%dma_start3A_117 : memref<256xf32, #tpu.memory_space<vmem>>) target(%dma_start3A_116 : memref<256xf32, #tpu.memory_space<hbm>>) target_semaphore(%arg8 : memref<!tpu.dma_semaphore, #tpu.memory_space<semaphore_mem>>)
        %slice3A_118 = vector.extract_strided_slice %get3A_60 {offsets = [5], sizes = [1], strides = [1]} : vector<16xi32> to vector<1xi32>
        %squeeze3A_119 = vector.extract %slice3A_118[0] : i32 from vector<1xi32>
        %mul3A_120 = arith.constant 256 : i32
        %mul3A_121 = arith.muli %squeeze3A_119, %mul3A_120 : i32
        %add3A_122 = arith.constant 1280 : i32
        %add3A_123 = arith.addi %mul3A_70, %add3A_122 : i32
        %dma_start3A_124 = tpu.memref_slice %arg5[%mul3A_121] : memref<24576xf32, #tpu.memory_space<vmem>> -> memref<256xf32, #tpu.memory_space<vmem>>
        %dma_start3A_125 = tpu.memref_slice %arg4[%add3A_123] : memref<52428800xf32, #tpu.memory_space<hbm>> -> memref<256xf32, #tpu.memory_space<hbm>>
        %dma_start3A_126 = tpu.memref_slice %arg4[%add3A_123] : memref<52428800xf32, #tpu.memory_space<hbm>> -> memref<256xf32, #tpu.memory_space<hbm>>
        %dma_start3A_127 = tpu.memref_slice %arg5[%mul3A_121] : memref<24576xf32, #tpu.memory_space<vmem>> -> memref<256xf32, #tpu.memory_space<vmem>>
        tpu.enqueue_dma source(%dma_start3A_127 : memref<256xf32, #tpu.memory_space<vmem>>) target(%dma_start3A_126 : memref<256xf32, #tpu.memory_space<hbm>>) target_semaphore(%arg8 : memref<!tpu.dma_semaphore, #tpu.memory_space<semaphore_mem>>)
        %slice3A_128 = vector.extract_strided_slice %get3A_60 {offsets = [6], sizes = [1], strides = [1]} : vector<16xi32> to vector<1xi32>
        %squeeze3A_129 = vector.extract %slice3A_128[0] : i32 from vector<1xi32>
        %mul3A_130 = arith.constant 256 : i32
        %mul3A_131 = arith.muli %squeeze3A_129, %mul3A_130 : i32
        %add3A_132 = arith.constant 1536 : i32
        %add3A_133 = arith.addi %mul3A_70, %add3A_132 : i32
        %dma_start3A_134 = tpu.memref_slice %arg5[%mul3A_131] : memref<24576xf32, #tpu.memory_space<vmem>> -> memref<256xf32, #tpu.memory_space<vmem>>
        %dma_start3A_135 = tpu.memref_slice %arg4[%add3A_133] : memref<52428800xf32, #tpu.memory_space<hbm>> -> memref<256xf32, #tpu.memory_space<hbm>>
        %dma_start3A_136 = tpu.memref_slice %arg4[%add3A_133] : memref<52428800xf32, #tpu.memory_space<hbm>> -> memref<256xf32, #tpu.memory_space<hbm>>
        %dma_start3A_137 = tpu.memref_slice %arg5[%mul3A_131] : memref<24576xf32, #tpu.memory_space<vmem>> -> memref<256xf32, #tpu.memory_space<vmem>>
        tpu.enqueue_dma source(%dma_start3A_137 : memref<256xf32, #tpu.memory_space<vmem>>) target(%dma_start3A_136 : memref<256xf32, #tpu.memory_space<hbm>>) target_semaphore(%arg8 : memref<!tpu.dma_semaphore, #tpu.memory_space<semaphore_mem>>)
        %slice3A_138 = vector.extract_strided_slice %get3A_60 {offsets = [7], sizes = [1], strides = [1]} : vector<16xi32> to vector<1xi32>
        %squeeze3A_139 = vector.extract %slice3A_138[0] : i32 from vector<1xi32>
        %mul3A_140 = arith.constant 256 : i32
        %mul3A_141 = arith.muli %squeeze3A_139, %mul3A_140 : i32
        %add3A_142 = arith.constant 1792 : i32
        %add3A_143 = arith.addi %mul3A_70, %add3A_142 : i32
        %dma_start3A_144 = tpu.memref_slice %arg5[%mul3A_141] : memref<24576xf32, #tpu.memory_space<vmem>> -> memref<256xf32, #tpu.memory_space<vmem>>
        %dma_start3A_145 = tpu.memref_slice %arg4[%add3A_143] : memref<52428800xf32, #tpu.memory_space<hbm>> -> memref<256xf32, #tpu.memory_space<hbm>>
        %dma_start3A_146 = tpu.memref_slice %arg4[%add3A_143] : memref<52428800xf32, #tpu.memory_space<hbm>> -> memref<256xf32, #tpu.memory_space<hbm>>
        %dma_start3A_147 = tpu.memref_slice %arg5[%mul3A_141] : memref<24576xf32, #tpu.memory_space<vmem>> -> memref<256xf32, #tpu.memory_space<vmem>>
        tpu.enqueue_dma source(%dma_start3A_147 : memref<256xf32, #tpu.memory_space<vmem>>) target(%dma_start3A_146 : memref<256xf32, #tpu.memory_space<hbm>>) target_semaphore(%arg8 : memref<!tpu.dma_semaphore, #tpu.memory_space<semaphore_mem>>)
        %slice3A_148 = vector.extract_strided_slice %get3A_60 {offsets = [8], sizes = [1], strides = [1]} : vector<16xi32> to vector<1xi32>
        %squeeze3A_149 = vector.extract %slice3A_148[0] : i32 from vector<1xi32>
        %mul3A_150 = arith.constant 256 : i32
        %mul3A_151 = arith.muli %squeeze3A_149, %mul3A_150 : i32
        %add3A_152 = arith.constant 2048 : i32
        %add3A_153 = arith.addi %mul3A_70, %add3A_152 : i32
        %dma_start3A_154 = tpu.memref_slice %arg5[%mul3A_151] : memref<24576xf32, #tpu.memory_space<vmem>> -> memref<256xf32, #tpu.memory_space<vmem>>
        %dma_start3A_155 = tpu.memref_slice %arg4[%add3A_153] : memref<52428800xf32, #tpu.memory_space<hbm>> -> memref<256xf32, #tpu.memory_space<hbm>>
        %dma_start3A_156 = tpu.memref_slice %arg4[%add3A_153] : memref<52428800xf32, #tpu.memory_space<hbm>> -> memref<256xf32, #tpu.memory_space<hbm>>
        %dma_start3A_157 = tpu.memref_slice %arg5[%mul3A_151] : memref<24576xf32, #tpu.memory_space<vmem>> -> memref<256xf32, #tpu.memory_space<vmem>>
        tpu.enqueue_dma source(%dma_start3A_157 : memref<256xf32, #tpu.memory_space<vmem>>) target(%dma_start3A_156 : memref<256xf32, #tpu.memory_space<hbm>>) target_semaphore(%arg8 : memref<!tpu.dma_semaphore, #tpu.memory_space<semaphore_mem>>)
        %slice3A_158 = vector.extract_strided_slice %get3A_60 {offsets = [9], sizes = [1], strides = [1]} : vector<16xi32> to vector<1xi32>
        %squeeze3A_159 = vector.extract %slice3A_158[0] : i32 from vector<1xi32>
        %mul3A_160 = arith.constant 256 : i32
        %mul3A_161 = arith.muli %squeeze3A_159, %mul3A_160 : i32
        %add3A_162 = arith.constant 2304 : i32
        %add3A_163 = arith.addi %mul3A_70, %add3A_162 : i32
        %dma_start3A_164 = tpu.memref_slice %arg5[%mul3A_161] : memref<24576xf32, #tpu.memory_space<vmem>> -> memref<256xf32, #tpu.memory_space<vmem>>
        %dma_start3A_165 = tpu.memref_slice %arg4[%add3A_163] : memref<52428800xf32, #tpu.memory_space<hbm>> -> memref<256xf32, #tpu.memory_space<hbm>>
        %dma_start3A_166 = tpu.memref_slice %arg4[%add3A_163] : memref<52428800xf32, #tpu.memory_space<hbm>> -> memref<256xf32, #tpu.memory_space<hbm>>
        %dma_start3A_167 = tpu.memref_slice %arg5[%mul3A_161] : memref<24576xf32, #tpu.memory_space<vmem>> -> memref<256xf32, #tpu.memory_space<vmem>>
        tpu.enqueue_dma source(%dma_start3A_167 : memref<256xf32, #tpu.memory_space<vmem>>) target(%dma_start3A_166 : memref<256xf32, #tpu.memory_space<hbm>>) target_semaphore(%arg8 : memref<!tpu.dma_semaphore, #tpu.memory_space<semaphore_mem>>)
        %slice3A_168 = vector.extract_strided_slice %get3A_60 {offsets = [10], sizes = [1], strides = [1]} : vector<16xi32> to vector<1xi32>
        %squeeze3A_169 = vector.extract %slice3A_168[0] : i32 from vector<1xi32>
        %mul3A_170 = arith.constant 256 : i32
        %mul3A_171 = arith.muli %squeeze3A_169, %mul3A_170 : i32
        %add3A_172 = arith.constant 2560 : i32
        %add3A_173 = arith.addi %mul3A_70, %add3A_172 : i32
        %dma_start3A_174 = tpu.memref_slice %arg5[%mul3A_171] : memref<24576xf32, #tpu.memory_space<vmem>> -> memref<256xf32, #tpu.memory_space<vmem>>
        %dma_start3A_175 = tpu.memref_slice %arg4[%add3A_173] : memref<52428800xf32, #tpu.memory_space<hbm>> -> memref<256xf32, #tpu.memory_space<hbm>>
        %dma_start3A_176 = tpu.memref_slice %arg4[%add3A_173] : memref<52428800xf32, #tpu.memory_space<hbm>> -> memref<256xf32, #tpu.memory_space<hbm>>
        %dma_start3A_177 = tpu.memref_slice %arg5[%mul3A_171] : memref<24576xf32, #tpu.memory_space<vmem>> -> memref<256xf32, #tpu.memory_space<vmem>>
        tpu.enqueue_dma source(%dma_start3A_177 : memref<256xf32, #tpu.memory_space<vmem>>) target(%dma_start3A_176 : memref<256xf32, #tpu.memory_space<hbm>>) target_semaphore(%arg8 : memref<!tpu.dma_semaphore, #tpu.memory_space<semaphore_mem>>)
        %slice3A_178 = vector.extract_strided_slice %get3A_60 {offsets = [11], sizes = [1], strides = [1]} : vector<16xi32> to vector<1xi32>
        %squeeze3A_179 = vector.extract %slice3A_178[0] : i32 from vector<1xi32>
        %mul3A_180 = arith.constant 256 : i32
        %mul3A_181 = arith.muli %squeeze3A_179, %mul3A_180 : i32
        %add3A_182 = arith.constant 2816 : i32
        %add3A_183 = arith.addi %mul3A_70, %add3A_182 : i32
        %dma_start3A_184 = tpu.memref_slice %arg5[%mul3A_181] : memref<24576xf32, #tpu.memory_space<vmem>> -> memref<256xf32, #tpu.memory_space<vmem>>
        %dma_start3A_185 = tpu.memref_slice %arg4[%add3A_183] : memref<52428800xf32, #tpu.memory_space<hbm>> -> memref<256xf32, #tpu.memory_space<hbm>>
        %dma_start3A_186 = tpu.memref_slice %arg4[%add3A_183] : memref<52428800xf32, #tpu.memory_space<hbm>> -> memref<256xf32, #tpu.memory_space<hbm>>
        %dma_start3A_187 = tpu.memref_slice %arg5[%mul3A_181] : memref<24576xf32, #tpu.memory_space<vmem>> -> memref<256xf32, #tpu.memory_space<vmem>>
        tpu.enqueue_dma source(%dma_start3A_187 : memref<256xf32, #tpu.memory_space<vmem>>) target(%dma_start3A_186 : memref<256xf32, #tpu.memory_space<hbm>>) target_semaphore(%arg8 : memref<!tpu.dma_semaphore, #tpu.memory_space<semaphore_mem>>)
        %slice3A_188 = vector.extract_strided_slice %get3A_60 {offsets = [12], sizes = [1], strides = [1]} : vector<16xi32> to vector<1xi32>
        %squeeze3A_189 = vector.extract %slice3A_188[0] : i32 from vector<1xi32>
        %mul3A_190 = arith.constant 256 : i32
        %mul3A_191 = arith.muli %squeeze3A_189, %mul3A_190 : i32
        %add3A_192 = arith.constant 3072 : i32
        %add3A_193 = arith.addi %mul3A_70, %add3A_192 : i32
        %dma_start3A_194 = tpu.memref_slice %arg5[%mul3A_191] : memref<24576xf32, #tpu.memory_space<vmem>> -> memref<256xf32, #tpu.memory_space<vmem>>
        %dma_start3A_195 = tpu.memref_slice %arg4[%add3A_193] : memref<52428800xf32, #tpu.memory_space<hbm>> -> memref<256xf32, #tpu.memory_space<hbm>>
        %dma_start3A_196 = tpu.memref_slice %arg4[%add3A_193] : memref<52428800xf32, #tpu.memory_space<hbm>> -> memref<256xf32, #tpu.memory_space<hbm>>
        %dma_start3A_197 = tpu.memref_slice %arg5[%mul3A_191] : memref<24576xf32, #tpu.memory_space<vmem>> -> memref<256xf32, #tpu.memory_space<vmem>>
        tpu.enqueue_dma source(%dma_start3A_197 : memref<256xf32, #tpu.memory_space<vmem>>) target(%dma_start3A_196 : memref<256xf32, #tpu.memory_space<hbm>>) target_semaphore(%arg8 : memref<!tpu.dma_semaphore, #tpu.memory_space<semaphore_mem>>)
        %slice3A_198 = vector.extract_strided_slice %get3A_60 {offsets = [13], sizes = [1], strides = [1]} : vector<16xi32> to vector<1xi32>
        %squeeze3A_199 = vector.extract %slice3A_198[0] : i32 from vector<1xi32>
        %mul3A_200 = arith.constant 256 : i32
        %mul3A_201 = arith.muli %squeeze3A_199, %mul3A_200 : i32
        %add3A_202 = arith.constant 3328 : i32
        %add3A_203 = arith.addi %mul3A_70, %add3A_202 : i32
        %dma_start3A_204 = tpu.memref_slice %arg5[%mul3A_201] : memref<24576xf32, #tpu.memory_space<vmem>> -> memref<256xf32, #tpu.memory_space<vmem>>
        %dma_start3A_205 = tpu.memref_slice %arg4[%add3A_203] : memref<52428800xf32, #tpu.memory_space<hbm>> -> memref<256xf32, #tpu.memory_space<hbm>>
        %dma_start3A_206 = tpu.memref_slice %arg4[%add3A_203] : memref<52428800xf32, #tpu.memory_space<hbm>> -> memref<256xf32, #tpu.memory_space<hbm>>
        %dma_start3A_207 = tpu.memref_slice %arg5[%mul3A_201] : memref<24576xf32, #tpu.memory_space<vmem>> -> memref<256xf32, #tpu.memory_space<vmem>>
        tpu.enqueue_dma source(%dma_start3A_207 : memref<256xf32, #tpu.memory_space<vmem>>) target(%dma_start3A_206 : memref<256xf32, #tpu.memory_space<hbm>>) target_semaphore(%arg8 : memref<!tpu.dma_semaphore, #tpu.memory_space<semaphore_mem>>)
        %slice3A_208 = vector.extract_strided_slice %get3A_60 {offsets = [14], sizes = [1], strides = [1]} : vector<16xi32> to vector<1xi32>
        %squeeze3A_209 = vector.extract %slice3A_208[0] : i32 from vector<1xi32>
        %mul3A_210 = arith.constant 256 : i32
        %mul3A_211 = arith.muli %squeeze3A_209, %mul3A_210 : i32
        %add3A_212 = arith.constant 3584 : i32
        %add3A_213 = arith.addi %mul3A_70, %add3A_212 : i32
        %dma_start3A_214 = tpu.memref_slice %arg5[%mul3A_211] : memref<24576xf32, #tpu.memory_space<vmem>> -> memref<256xf32, #tpu.memory_space<vmem>>
        %dma_start3A_215 = tpu.memref_slice %arg4[%add3A_213] : memref<52428800xf32, #tpu.memory_space<hbm>> -> memref<256xf32, #tpu.memory_space<hbm>>
        %dma_start3A_216 = tpu.memref_slice %arg4[%add3A_213] : memref<52428800xf32, #tpu.memory_space<hbm>> -> memref<256xf32, #tpu.memory_space<hbm>>
        %dma_start3A_217 = tpu.memref_slice %arg5[%mul3A_211] : memref<24576xf32, #tpu.memory_space<vmem>> -> memref<256xf32, #tpu.memory_space<vmem>>
        tpu.enqueue_dma source(%dma_start3A_217 : memref<256xf32, #tpu.memory_space<vmem>>) target(%dma_start3A_216 : memref<256xf32, #tpu.memory_space<hbm>>) target_semaphore(%arg8 : memref<!tpu.dma_semaphore, #tpu.memory_space<semaphore_mem>>)
        %slice3A_218 = vector.extract_strided_slice %get3A_60 {offsets = [15], sizes = [1], strides = [1]} : vector<16xi32> to vector<1xi32>
        %squeeze3A_219 = vector.extract %slice3A_218[0] : i32 from vector<1xi32>
        %mul3A_220 = arith.constant 256 : i32
        %mul3A_221 = arith.muli %squeeze3A_219, %mul3A_220 : i32
        %add3A_222 = arith.constant 3840 : i32
        %add3A_223 = arith.addi %mul3A_70, %add3A_222 : i32
        %dma_start3A_224 = tpu.memref_slice %arg5[%mul3A_221] : memref<24576xf32, #tpu.memory_space<vmem>> -> memref<256xf32, #tpu.memory_space<vmem>>
        %dma_start3A_225 = tpu.memref_slice %arg4[%add3A_223] : memref<52428800xf32, #tpu.memory_space<hbm>> -> memref<256xf32, #tpu.memory_space<hbm>>
        %dma_start3A_226 = tpu.memref_slice %arg4[%add3A_223] : memref<52428800xf32, #tpu.memory_space<hbm>> -> memref<256xf32, #tpu.memory_space<hbm>>
        %dma_start3A_227 = tpu.memref_slice %arg5[%mul3A_221] : memref<24576xf32, #tpu.memory_space<vmem>> -> memref<256xf32, #tpu.memory_space<vmem>>
        tpu.enqueue_dma source(%dma_start3A_227 : memref<256xf32, #tpu.memory_space<vmem>>) target(%dma_start3A_226 : memref<256xf32, #tpu.memory_space<hbm>>) target_semaphore(%arg8 : memref<!tpu.dma_semaphore, #tpu.memory_space<semaphore_mem>>)
      }
      %scan3A_39 = arith.constant 8 : i32
      %mul3A_40 = arith.constant 2 : i32
      %mul3A_41 = arith.muli %scan3A_25, %mul3A_40 : i32
      %add3A_42 = arith.constant 1 : i32
      %add3A_43 = arith.addi %mul3A_41, %add3A_42 : i32
      %dma_wait3A_44 = arith.constant 0 : i32
      %dma_wait3A_45 = tpu.memref_slice %arg4[%dma_wait3A_44] : memref<52428800xf32, #tpu.memory_space<hbm>> -> memref<32768xf32, #tpu.memory_space<hbm>>
      %dma_wait3A_46 = arith.constant 0 : i32
      %dma_wait3A_47 = tpu.memref_slice %arg4[%dma_wait3A_46] : memref<52428800xf32, #tpu.memory_space<hbm>> -> memref<32768xf32, #tpu.memory_space<hbm>>
      tpu.wait_dma2 semaphore(%arg9 : memref<!tpu.dma_semaphore, #tpu.memory_space<semaphore_mem>>) src(%dma_wait3A_47 : memref<32768xf32, #tpu.memory_space<hbm>>) dst(%arg7 : memref<32768xf32, #tpu.memory_space<vmem>>)
      %scan3A_48 = arith.constant 0 : i32
      %scan3A_49 = arith.constant 0 : i32
      %scan3A_50 = arith.constant 8 : i32
      %scan3A_51 = arith.addi %scan3A_49, %scan3A_50 : i32
      %scan3A_52 = arith.constant 1 : i32
      scf.for %scan3A_54 = %scan3A_49 to %scan3A_51 step %scan3A_52  : i32 {
        %mul3A_55 = arith.constant 8 : i32
        %mul3A_56 = arith.muli %add3A_43, %mul3A_55 : i32
        %add3A_57 = arith.addi %mul3A_56, %scan3A_54 : i32
        %mul3A_58 = arith.constant 16 : i32
        %mul3A_59 = arith.muli %add3A_57, %mul3A_58 : i32
        %get3A = arith.index_cast %mul3A_59 : i32 to index
        %get3A_60 = tpu.vector_load %arg6[%get3A] {strides = array<i32>} : memref<6400xi32, #tpu.memory_space<vmem>>, vector<16xi32>,
        %mul3A_61 = arith.constant 32 : i32
        %mul3A_62 = arith.muli %add3A_43, %mul3A_61 : i32
        %add3A_63 = arith.addi %mul3A_62, %add3A : i32
        %mul3A_64 = arith.constant 128 : i32
        %mul3A_65 = arith.muli %add3A_63, %mul3A_64 : i32
        %mul3A_66 = arith.constant 16 : i32
        %mul3A_67 = arith.muli %scan3A_54, %mul3A_66 : i32
        %add3A_68 = arith.addi %mul3A_65, %mul3A_67 : i32
        %mul3A_69 = arith.constant 256 : i32
        %mul3A_70 = arith.muli %add3A_68, %mul3A_69 : i32
        %slice3A = vector.extract_strided_slice %get3A_60 {offsets = [0], sizes = [1], strides = [1]} : vector<16xi32> to vector<1xi32>
        %squeeze3A = vector.extract %slice3A[0] : i32 from vector<1xi32>
        %mul3A_71 = arith.constant 256 : i32
        %mul3A_72 = arith.muli %squeeze3A, %mul3A_71 : i32
        %add3A_73 = arith.constant 0 : i32
        %add3A_74 = arith.addi %mul3A_70, %add3A_73 : i32
        %dma_start3A = tpu.memref_slice %arg5[%mul3A_72] : memref<24576xf32, #tpu.memory_space<vmem>> -> memref<256xf32, #tpu.memory_space<vmem>>
        %dma_start3A_75 = tpu.memref_slice %arg4[%add3A_74] : memref<52428800xf32, #tpu.memory_space<hbm>> -> memref<256xf32, #tpu.memory_space<hbm>>
        %dma_start3A_76 = tpu.memref_slice %arg4[%add3A_74] : memref<52428800xf32, #tpu.memory_space<hbm>> -> memref<256xf32, #tpu.memory_space<hbm>>
        %dma_start3A_77 = tpu.memref_slice %arg5[%mul3A_72] : memref<24576xf32, #tpu.memory_space<vmem>> -> memref<256xf32, #tpu.memory_space<vmem>>
        tpu.enqueue_dma source(%dma_start3A_77 : memref<256xf32, #tpu.memory_space<vmem>>) target(%dma_start3A_76 : memref<256xf32, #tpu.memory_space<hbm>>) target_semaphore(%arg9 : memref<!tpu.dma_semaphore, #tpu.memory_space<semaphore_mem>>)
        %slice3A_78 = vector.extract_strided_slice %get3A_60 {offsets = [1], sizes = [1], strides = [1]} : vector<16xi32> to vector<1xi32>
        %squeeze3A_79 = vector.extract %slice3A_78[0] : i32 from vector<1xi32>
        %mul3A_80 = arith.constant 256 : i32
        %mul3A_81 = arith.muli %squeeze3A_79, %mul3A_80 : i32
        %add3A_82 = arith.constant 256 : i32
        %add3A_83 = arith.addi %mul3A_70, %add3A_82 : i32
        %dma_start3A_84 = tpu.memref_slice %arg5[%mul3A_81] : memref<24576xf32, #tpu.memory_space<vmem>> -> memref<256xf32, #tpu.memory_space<vmem>>
        %dma_start3A_85 = tpu.memref_slice %arg4[%add3A_83] : memref<52428800xf32, #tpu.memory_space<hbm>> -> memref<256xf32, #tpu.memory_space<hbm>>
        %dma_start3A_86 = tpu.memref_slice %arg4[%add3A_83] : memref<52428800xf32, #tpu.memory_space<hbm>> -> memref<256xf32, #tpu.memory_space<hbm>>
        %dma_start3A_87 = tpu.memref_slice %arg5[%mul3A_81] : memref<24576xf32, #tpu.memory_space<vmem>> -> memref<256xf32, #tpu.memory_space<vmem>>
        tpu.enqueue_dma source(%dma_start3A_87 : memref<256xf32, #tpu.memory_space<vmem>>) target(%dma_start3A_86 : memref<256xf32, #tpu.memory_space<hbm>>) target_semaphore(%arg9 : memref<!tpu.dma_semaphore, #tpu.memory_space<semaphore_mem>>)
        %slice3A_88 = vector.extract_strided_slice %get3A_60 {offsets = [2], sizes = [1], strides = [1]} : vector<16xi32> to vector<1xi32>
        %squeeze3A_89 = vector.extract %slice3A_88[0] : i32 from vector<1xi32>
        %mul3A_90 = arith.constant 256 : i32
        %mul3A_91 = arith.muli %squeeze3A_89, %mul3A_90 : i32
        %add3A_92 = arith.constant 512 : i32
        %add3A_93 = arith.addi %mul3A_70, %add3A_92 : i32
        %dma_start3A_94 = tpu.memref_slice %arg5[%mul3A_91] : memref<24576xf32, #tpu.memory_space<vmem>> -> memref<256xf32, #tpu.memory_space<vmem>>
        %dma_start3A_95 = tpu.memref_slice %arg4[%add3A_93] : memref<52428800xf32, #tpu.memory_space<hbm>> -> memref<256xf32, #tpu.memory_space<hbm>>
        %dma_start3A_96 = tpu.memref_slice %arg4[%add3A_93] : memref<52428800xf32, #tpu.memory_space<hbm>> -> memref<256xf32, #tpu.memory_space<hbm>>
        %dma_start3A_97 = tpu.memref_slice %arg5[%mul3A_91] : memref<24576xf32, #tpu.memory_space<vmem>> -> memref<256xf32, #tpu.memory_space<vmem>>
        tpu.enqueue_dma source(%dma_start3A_97 : memref<256xf32, #tpu.memory_space<vmem>>) target(%dma_start3A_96 : memref<256xf32, #tpu.memory_space<hbm>>) target_semaphore(%arg9 : memref<!tpu.dma_semaphore, #tpu.memory_space<semaphore_mem>>)
        %slice3A_98 = vector.extract_strided_slice %get3A_60 {offsets = [3], sizes = [1], strides = [1]} : vector<16xi32> to vector<1xi32>
        %squeeze3A_99 = vector.extract %slice3A_98[0] : i32 from vector<1xi32>
        %mul3A_100 = arith.constant 256 : i32
        %mul3A_101 = arith.muli %squeeze3A_99, %mul3A_100 : i32
        %add3A_102 = arith.constant 768 : i32
        %add3A_103 = arith.addi %mul3A_70, %add3A_102 : i32
        %dma_start3A_104 = tpu.memref_slice %arg5[%mul3A_101] : memref<24576xf32, #tpu.memory_space<vmem>> -> memref<256xf32, #tpu.memory_space<vmem>>
        %dma_start3A_105 = tpu.memref_slice %arg4[%add3A_103] : memref<52428800xf32, #tpu.memory_space<hbm>> -> memref<256xf32, #tpu.memory_space<hbm>>
        %dma_start3A_106 = tpu.memref_slice %arg4[%add3A_103] : memref<52428800xf32, #tpu.memory_space<hbm>> -> memref<256xf32, #tpu.memory_space<hbm>>
        %dma_start3A_107 = tpu.memref_slice %arg5[%mul3A_101] : memref<24576xf32, #tpu.memory_space<vmem>> -> memref<256xf32, #tpu.memory_space<vmem>>
        tpu.enqueue_dma source(%dma_start3A_107 : memref<256xf32, #tpu.memory_space<vmem>>) target(%dma_start3A_106 : memref<256xf32, #tpu.memory_space<hbm>>) target_semaphore(%arg9 : memref<!tpu.dma_semaphore, #tpu.memory_space<semaphore_mem>>)
        %slice3A_108 = vector.extract_strided_slice %get3A_60 {offsets = [4], sizes = [1], strides = [1]} : vector<16xi32> to vector<1xi32>
        %squeeze3A_109 = vector.extract %slice3A_108[0] : i32 from vector<1xi32>
        %mul3A_110 = arith.constant 256 : i32
        %mul3A_111 = arith.muli %squeeze3A_109, %mul3A_110 : i32
        %add3A_112 = arith.constant 1024 : i32
        %add3A_113 = arith.addi %mul3A_70, %add3A_112 : i32
        %dma_start3A_114 = tpu.memref_slice %arg5[%mul3A_111] : memref<24576xf32, #tpu.memory_space<vmem>> -> memref<256xf32, #tpu.memory_space<vmem>>
        %dma_start3A_115 = tpu.memref_slice %arg4[%add3A_113] : memref<52428800xf32, #tpu.memory_space<hbm>> -> memref<256xf32, #tpu.memory_space<hbm>>
        %dma_start3A_116 = tpu.memref_slice %arg4[%add3A_113] : memref<52428800xf32, #tpu.memory_space<hbm>> -> memref<256xf32, #tpu.memory_space<hbm>>
        %dma_start3A_117 = tpu.memref_slice %arg5[%mul3A_111] : memref<24576xf32, #tpu.memory_space<vmem>> -> memref<256xf32, #tpu.memory_space<vmem>>
        tpu.enqueue_dma source(%dma_start3A_117 : memref<256xf32, #tpu.memory_space<vmem>>) target(%dma_start3A_116 : memref<256xf32, #tpu.memory_space<hbm>>) target_semaphore(%arg9 : memref<!tpu.dma_semaphore, #tpu.memory_space<semaphore_mem>>)
        %slice3A_118 = vector.extract_strided_slice %get3A_60 {offsets = [5], sizes = [1], strides = [1]} : vector<16xi32> to vector<1xi32>
        %squeeze3A_119 = vector.extract %slice3A_118[0] : i32 from vector<1xi32>
        %mul3A_120 = arith.constant 256 : i32
        %mul3A_121 = arith.muli %squeeze3A_119, %mul3A_120 : i32
        %add3A_122 = arith.constant 1280 : i32
        %add3A_123 = arith.addi %mul3A_70, %add3A_122 : i32
        %dma_start3A_124 = tpu.memref_slice %arg5[%mul3A_121] : memref<24576xf32, #tpu.memory_space<vmem>> -> memref<256xf32, #tpu.memory_space<vmem>>
        %dma_start3A_125 = tpu.memref_slice %arg4[%add3A_123] : memref<52428800xf32, #tpu.memory_space<hbm>> -> memref<256xf32, #tpu.memory_space<hbm>>
        %dma_start3A_126 = tpu.memref_slice %arg4[%add3A_123] : memref<52428800xf32, #tpu.memory_space<hbm>> -> memref<256xf32, #tpu.memory_space<hbm>>
        %dma_start3A_127 = tpu.memref_slice %arg5[%mul3A_121] : memref<24576xf32, #tpu.memory_space<vmem>> -> memref<256xf32, #tpu.memory_space<vmem>>
        tpu.enqueue_dma source(%dma_start3A_127 : memref<256xf32, #tpu.memory_space<vmem>>) target(%dma_start3A_126 : memref<256xf32, #tpu.memory_space<hbm>>) target_semaphore(%arg9 : memref<!tpu.dma_semaphore, #tpu.memory_space<semaphore_mem>>)
        %slice3A_128 = vector.extract_strided_slice %get3A_60 {offsets = [6], sizes = [1], strides = [1]} : vector<16xi32> to vector<1xi32>
        %squeeze3A_129 = vector.extract %slice3A_128[0] : i32 from vector<1xi32>
        %mul3A_130 = arith.constant 256 : i32
        %mul3A_131 = arith.muli %squeeze3A_129, %mul3A_130 : i32
        %add3A_132 = arith.constant 1536 : i32
        %add3A_133 = arith.addi %mul3A_70, %add3A_132 : i32
        %dma_start3A_134 = tpu.memref_slice %arg5[%mul3A_131] : memref<24576xf32, #tpu.memory_space<vmem>> -> memref<256xf32, #tpu.memory_space<vmem>>
        %dma_start3A_135 = tpu.memref_slice %arg4[%add3A_133] : memref<52428800xf32, #tpu.memory_space<hbm>> -> memref<256xf32, #tpu.memory_space<hbm>>
        %dma_start3A_136 = tpu.memref_slice %arg4[%add3A_133] : memref<52428800xf32, #tpu.memory_space<hbm>> -> memref<256xf32, #tpu.memory_space<hbm>>
        %dma_start3A_137 = tpu.memref_slice %arg5[%mul3A_131] : memref<24576xf32, #tpu.memory_space<vmem>> -> memref<256xf32, #tpu.memory_space<vmem>>
        tpu.enqueue_dma source(%dma_start3A_137 : memref<256xf32, #tpu.memory_space<vmem>>) target(%dma_start3A_136 : memref<256xf32, #tpu.memory_space<hbm>>) target_semaphore(%arg9 : memref<!tpu.dma_semaphore, #tpu.memory_space<semaphore_mem>>)
        %slice3A_138 = vector.extract_strided_slice %get3A_60 {offsets = [7], sizes = [1], strides = [1]} : vector<16xi32> to vector<1xi32>
        %squeeze3A_139 = vector.extract %slice3A_138[0] : i32 from vector<1xi32>
        %mul3A_140 = arith.constant 256 : i32
        %mul3A_141 = arith.muli %squeeze3A_139, %mul3A_140 : i32
        %add3A_142 = arith.constant 1792 : i32
        %add3A_143 = arith.addi %mul3A_70, %add3A_142 : i32
        %dma_start3A_144 = tpu.memref_slice %arg5[%mul3A_141] : memref<24576xf32, #tpu.memory_space<vmem>> -> memref<256xf32, #tpu.memory_space<vmem>>
        %dma_start3A_145 = tpu.memref_slice %arg4[%add3A_143] : memref<52428800xf32, #tpu.memory_space<hbm>> -> memref<256xf32, #tpu.memory_space<hbm>>
        %dma_start3A_146 = tpu.memref_slice %arg4[%add3A_143] : memref<52428800xf32, #tpu.memory_space<hbm>> -> memref<256xf32, #tpu.memory_space<hbm>>
        %dma_start3A_147 = tpu.memref_slice %arg5[%mul3A_141] : memref<24576xf32, #tpu.memory_space<vmem>> -> memref<256xf32, #tpu.memory_space<vmem>>
        tpu.enqueue_dma source(%dma_start3A_147 : memref<256xf32, #tpu.memory_space<vmem>>) target(%dma_start3A_146 : memref<256xf32, #tpu.memory_space<hbm>>) target_semaphore(%arg9 : memref<!tpu.dma_semaphore, #tpu.memory_space<semaphore_mem>>)
        %slice3A_148 = vector.extract_strided_slice %get3A_60 {offsets = [8], sizes = [1], strides = [1]} : vector<16xi32> to vector<1xi32>
        %squeeze3A_149 = vector.extract %slice3A_148[0] : i32 from vector<1xi32>
        %mul3A_150 = arith.constant 256 : i32
        %mul3A_151 = arith.muli %squeeze3A_149, %mul3A_150 : i32
        %add3A_152 = arith.constant 2048 : i32
        %add3A_153 = arith.addi %mul3A_70, %add3A_152 : i32
        %dma_start3A_154 = tpu.memref_slice %arg5[%mul3A_151] : memref<24576xf32, #tpu.memory_space<vmem>> -> memref<256xf32, #tpu.memory_space<vmem>>
        %dma_start3A_155 = tpu.memref_slice %arg4[%add3A_153] : memref<52428800xf32, #tpu.memory_space<hbm>> -> memref<256xf32, #tpu.memory_space<hbm>>
        %dma_start3A_156 = tpu.memref_slice %arg4[%add3A_153] : memref<52428800xf32, #tpu.memory_space<hbm>> -> memref<256xf32, #tpu.memory_space<hbm>>
        %dma_start3A_157 = tpu.memref_slice %arg5[%mul3A_151] : memref<24576xf32, #tpu.memory_space<vmem>> -> memref<256xf32, #tpu.memory_space<vmem>>
        tpu.enqueue_dma source(%dma_start3A_157 : memref<256xf32, #tpu.memory_space<vmem>>) target(%dma_start3A_156 : memref<256xf32, #tpu.memory_space<hbm>>) target_semaphore(%arg9 : memref<!tpu.dma_semaphore, #tpu.memory_space<semaphore_mem>>)
        %slice3A_158 = vector.extract_strided_slice %get3A_60 {offsets = [9], sizes = [1], strides = [1]} : vector<16xi32> to vector<1xi32>
        %squeeze3A_159 = vector.extract %slice3A_158[0] : i32 from vector<1xi32>
        %mul3A_160 = arith.constant 256 : i32
        %mul3A_161 = arith.muli %squeeze3A_159, %mul3A_160 : i32
        %add3A_162 = arith.constant 2304 : i32
        %add3A_163 = arith.addi %mul3A_70, %add3A_162 : i32
        %dma_start3A_164 = tpu.memref_slice %arg5[%mul3A_161] : memref<24576xf32, #tpu.memory_space<vmem>> -> memref<256xf32, #tpu.memory_space<vmem>>
        %dma_start3A_165 = tpu.memref_slice %arg4[%add3A_163] : memref<52428800xf32, #tpu.memory_space<hbm>> -> memref<256xf32, #tpu.memory_space<hbm>>
        %dma_start3A_166 = tpu.memref_slice %arg4[%add3A_163] : memref<52428800xf32, #tpu.memory_space<hbm>> -> memref<256xf32, #tpu.memory_space<hbm>>
        %dma_start3A_167 = tpu.memref_slice %arg5[%mul3A_161] : memref<24576xf32, #tpu.memory_space<vmem>> -> memref<256xf32, #tpu.memory_space<vmem>>
        tpu.enqueue_dma source(%dma_start3A_167 : memref<256xf32, #tpu.memory_space<vmem>>) target(%dma_start3A_166 : memref<256xf32, #tpu.memory_space<hbm>>) target_semaphore(%arg9 : memref<!tpu.dma_semaphore, #tpu.memory_space<semaphore_mem>>)
        %slice3A_168 = vector.extract_strided_slice %get3A_60 {offsets = [10], sizes = [1], strides = [1]} : vector<16xi32> to vector<1xi32>
        %squeeze3A_169 = vector.extract %slice3A_168[0] : i32 from vector<1xi32>
        %mul3A_170 = arith.constant 256 : i32
        %mul3A_171 = arith.muli %squeeze3A_169, %mul3A_170 : i32
        %add3A_172 = arith.constant 2560 : i32
        %add3A_173 = arith.addi %mul3A_70, %add3A_172 : i32
        %dma_start3A_174 = tpu.memref_slice %arg5[%mul3A_171] : memref<24576xf32, #tpu.memory_space<vmem>> -> memref<256xf32, #tpu.memory_space<vmem>>
        %dma_start3A_175 = tpu.memref_slice %arg4[%add3A_173] : memref<52428800xf32, #tpu.memory_space<hbm>> -> memref<256xf32, #tpu.memory_space<hbm>>
        %dma_start3A_176 = tpu.memref_slice %arg4[%add3A_173] : memref<52428800xf32, #tpu.memory_space<hbm>> -> memref<256xf32, #tpu.memory_space<hbm>>
        %dma_start3A_177 = tpu.memref_slice %arg5[%mul3A_171] : memref<24576xf32, #tpu.memory_space<vmem>> -> memref<256xf32, #tpu.memory_space<vmem>>
        tpu.enqueue_dma source(%dma_start3A_177 : memref<256xf32, #tpu.memory_space<vmem>>) target(%dma_start3A_176 : memref<256xf32, #tpu.memory_space<hbm>>) target_semaphore(%arg9 : memref<!tpu.dma_semaphore, #tpu.memory_space<semaphore_mem>>)
        %slice3A_178 = vector.extract_strided_slice %get3A_60 {offsets = [11], sizes = [1], strides = [1]} : vector<16xi32> to vector<1xi32>
        %squeeze3A_179 = vector.extract %slice3A_178[0] : i32 from vector<1xi32>
        %mul3A_180 = arith.constant 256 : i32
        %mul3A_181 = arith.muli %squeeze3A_179, %mul3A_180 : i32
        %add3A_182 = arith.constant 2816 : i32
        %add3A_183 = arith.addi %mul3A_70, %add3A_182 : i32
        %dma_start3A_184 = tpu.memref_slice %arg5[%mul3A_181] : memref<24576xf32, #tpu.memory_space<vmem>> -> memref<256xf32, #tpu.memory_space<vmem>>
        %dma_start3A_185 = tpu.memref_slice %arg4[%add3A_183] : memref<52428800xf32, #tpu.memory_space<hbm>> -> memref<256xf32, #tpu.memory_space<hbm>>
        %dma_start3A_186 = tpu.memref_slice %arg4[%add3A_183] : memref<52428800xf32, #tpu.memory_space<hbm>> -> memref<256xf32, #tpu.memory_space<hbm>>
        %dma_start3A_187 = tpu.memref_slice %arg5[%mul3A_181] : memref<24576xf32, #tpu.memory_space<vmem>> -> memref<256xf32, #tpu.memory_space<vmem>>
        tpu.enqueue_dma source(%dma_start3A_187 : memref<256xf32, #tpu.memory_space<vmem>>) target(%dma_start3A_186 : memref<256xf32, #tpu.memory_space<hbm>>) target_semaphore(%arg9 : memref<!tpu.dma_semaphore, #tpu.memory_space<semaphore_mem>>)
        %slice3A_188 = vector.extract_strided_slice %get3A_60 {offsets = [12], sizes = [1], strides = [1]} : vector<16xi32> to vector<1xi32>
        %squeeze3A_189 = vector.extract %slice3A_188[0] : i32 from vector<1xi32>
        %mul3A_190 = arith.constant 256 : i32
        %mul3A_191 = arith.muli %squeeze3A_189, %mul3A_190 : i32
        %add3A_192 = arith.constant 3072 : i32
        %add3A_193 = arith.addi %mul3A_70, %add3A_192 : i32
        %dma_start3A_194 = tpu.memref_slice %arg5[%mul3A_191] : memref<24576xf32, #tpu.memory_space<vmem>> -> memref<256xf32, #tpu.memory_space<vmem>>
        %dma_start3A_195 = tpu.memref_slice %arg4[%add3A_193] : memref<52428800xf32, #tpu.memory_space<hbm>> -> memref<256xf32, #tpu.memory_space<hbm>>
        %dma_start3A_196 = tpu.memref_slice %arg4[%add3A_193] : memref<52428800xf32, #tpu.memory_space<hbm>> -> memref<256xf32, #tpu.memory_space<hbm>>
        %dma_start3A_197 = tpu.memref_slice %arg5[%mul3A_191] : memref<24576xf32, #tpu.memory_space<vmem>> -> memref<256xf32, #tpu.memory_space<vmem>>
        tpu.enqueue_dma source(%dma_start3A_197 : memref<256xf32, #tpu.memory_space<vmem>>) target(%dma_start3A_196 : memref<256xf32, #tpu.memory_space<hbm>>) target_semaphore(%arg9 : memref<!tpu.dma_semaphore, #tpu.memory_space<semaphore_mem>>)
        %slice3A_198 = vector.extract_strided_slice %get3A_60 {offsets = [13], sizes = [1], strides = [1]} : vector<16xi32> to vector<1xi32>
        %squeeze3A_199 = vector.extract %slice3A_198[0] : i32 from vector<1xi32>
        %mul3A_200 = arith.constant 256 : i32
        %mul3A_201 = arith.muli %squeeze3A_199, %mul3A_200 : i32
        %add3A_202 = arith.constant 3328 : i32
        %add3A_203 = arith.addi %mul3A_70, %add3A_202 : i32
        %dma_start3A_204 = tpu.memref_slice %arg5[%mul3A_201] : memref<24576xf32, #tpu.memory_space<vmem>> -> memref<256xf32, #tpu.memory_space<vmem>>
        %dma_start3A_205 = tpu.memref_slice %arg4[%add3A_203] : memref<52428800xf32, #tpu.memory_space<hbm>> -> memref<256xf32, #tpu.memory_space<hbm>>
        %dma_start3A_206 = tpu.memref_slice %arg4[%add3A_203] : memref<52428800xf32, #tpu.memory_space<hbm>> -> memref<256xf32, #tpu.memory_space<hbm>>
        %dma_start3A_207 = tpu.memref_slice %arg5[%mul3A_201] : memref<24576xf32, #tpu.memory_space<vmem>> -> memref<256xf32, #tpu.memory_space<vmem>>
        tpu.enqueue_dma source(%dma_start3A_207 : memref<256xf32, #tpu.memory_space<vmem>>) target(%dma_start3A_206 : memref<256xf32, #tpu.memory_space<hbm>>) target_semaphore(%arg9 : memref<!tpu.dma_semaphore, #tpu.memory_space<semaphore_mem>>)
        %slice3A_208 = vector.extract_strided_slice %get3A_60 {offsets = [14], sizes = [1], strides = [1]} : vector<16xi32> to vector<1xi32>
        %squeeze3A_209 = vector.extract %slice3A_208[0] : i32 from vector<1xi32>
        %mul3A_210 = arith.constant 256 : i32
        %mul3A_211 = arith.muli %squeeze3A_209, %mul3A_210 : i32
        %add3A_212 = arith.constant 3584 : i32
        %add3A_213 = arith.addi %mul3A_70, %add3A_212 : i32
        %dma_start3A_214 = tpu.memref_slice %arg5[%mul3A_211] : memref<24576xf32, #tpu.memory_space<vmem>> -> memref<256xf32, #tpu.memory_space<vmem>>
        %dma_start3A_215 = tpu.memref_slice %arg4[%add3A_213] : memref<52428800xf32, #tpu.memory_space<hbm>> -> memref<256xf32, #tpu.memory_space<hbm>>
        %dma_start3A_216 = tpu.memref_slice %arg4[%add3A_213] : memref<52428800xf32, #tpu.memory_space<hbm>> -> memref<256xf32, #tpu.memory_space<hbm>>
        %dma_start3A_217 = tpu.memref_slice %arg5[%mul3A_211] : memref<24576xf32, #tpu.memory_space<vmem>> -> memref<256xf32, #tpu.memory_space<vmem>>
        tpu.enqueue_dma source(%dma_start3A_217 : memref<256xf32, #tpu.memory_space<vmem>>) target(%dma_start3A_216 : memref<256xf32, #tpu.memory_space<hbm>>) target_semaphore(%arg9 : memref<!tpu.dma_semaphore, #tpu.memory_space<semaphore_mem>>)
        %slice3A_218 = vector.extract_strided_slice %get3A_60 {offsets = [15], sizes = [1], strides = [1]} : vector<16xi32> to vector<1xi32>
        %squeeze3A_219 = vector.extract %slice3A_218[0] : i32 from vector<1xi32>
        %mul3A_220 = arith.constant 256 : i32
        %mul3A_221 = arith.muli %squeeze3A_219, %mul3A_220 : i32
        %add3A_222 = arith.constant 3840 : i32
        %add3A_223 = arith.addi %mul3A_70, %add3A_222 : i32
        %dma_start3A_224 = tpu.memref_slice %arg5[%mul3A_221] : memref<24576xf32, #tpu.memory_space<vmem>> -> memref<256xf32, #tpu.memory_space<vmem>>
        %dma_start3A_225 = tpu.memref_slice %arg4[%add3A_223] : memref<52428800xf32, #tpu.memory_space<hbm>> -> memref<256xf32, #tpu.memory_space<hbm>>
        %dma_start3A_226 = tpu.memref_slice %arg4[%add3A_223] : memref<52428800xf32, #tpu.memory_space<hbm>> -> memref<256xf32, #tpu.memory_space<hbm>>
        %dma_start3A_227 = tpu.memref_slice %arg5[%mul3A_221] : memref<24576xf32, #tpu.memory_space<vmem>> -> memref<256xf32, #tpu.memory_space<vmem>>
        tpu.enqueue_dma source(%dma_start3A_227 : memref<256xf32, #tpu.memory_space<vmem>>) target(%dma_start3A_226 : memref<256xf32, #tpu.memory_space<hbm>>) target_semaphore(%arg9 : memref<!tpu.dma_semaphore, #tpu.memory_space<semaphore_mem>>)
      }
      %scan3A_53 = arith.constant 8 : i32
    }
    %scan3A_17 = arith.constant 24 : i32
    %dma_wait3A = arith.constant 0 : i32
    %dma_wait3A_18 = tpu.memref_slice %arg4[%dma_wait3A] : memref<52428800xf32, #tpu.memory_space<hbm>> -> memref<32768xf32, #tpu.memory_space<hbm>>
    %dma_wait3A_19 = arith.constant 0 : i32
    %dma_wait3A_20 = tpu.memref_slice %arg4[%dma_wait3A_19] : memref<52428800xf32, #tpu.memory_space<hbm>> -> memref<32768xf32, #tpu.memory_space<hbm>>
    tpu.wait_dma2 semaphore(%arg8 : memref<!tpu.dma_semaphore, #tpu.memory_space<semaphore_mem>>) src(%dma_wait3A_20 : memref<32768xf32, #tpu.memory_space<hbm>>) dst(%arg7 : memref<32768xf32, #tpu.memory_space<vmem>>)
    %dma_wait3A_21 = arith.constant 0 : i32
    %dma_wait3A_22 = tpu.memref_slice %arg4[%dma_wait3A_21] : memref<52428800xf32, #tpu.memory_space<hbm>> -> memref<32768xf32, #tpu.memory_space<hbm>>
    %dma_wait3A_23 = arith.constant 0 : i32
    %dma_wait3A_24 = tpu.memref_slice %arg4[%dma_wait3A_23] : memref<52428800xf32, #tpu.memory_space<hbm>> -> memref<32768xf32, #tpu.memory_space<hbm>>
    tpu.wait_dma2 semaphore(%arg9 : memref<!tpu.dma_semaphore, #tpu.memory_space<semaphore_mem>>) src(%dma_wait3A_24 : memref<32768xf32, #tpu.memory_space<hbm>>) dst(%arg7 : memref<32768xf32, #tpu.memory_space<vmem>>)
    return
  }
}

</mosaic_0001>

<sc_bundles>
// kernel: kernel.3.cloned.1.call-start
scs
__scs_entry_jumppad:
0x0: {  	(pc) =	sbr.rel $0x88, $3  }
0x1: {  	(tag) =	ssettag $0x0;
	lr =	simm.s32 $0x1  }
0x2: {  	[smem:$0x3F9F] =	sst lr;
	_ =	strace $0xD0000000  }
0x3: {  	_ = 	snop  }
0x4: {  	_ = 	snop  }
0x5: {  	_ = 	snop  }
0x6: {  	_ = 	snop  }
0x7: {  	_ = 	snop  }
__scs_overlays_trampoline_lowered:
0x8: {  	[smem:$0x3FAE] =	sst s0  }
0x9: {  	[smem:$0x3FAF] =	sst s1  }
0xa: {  	[smem:$0x3FB0] =	sst s2  }
0xb: {  	[smem:$0x3FB1] =	sst s3  }
0xc: {  	[smem:$0x3FB2] =	sst s4  }
0xd: {  	[smem:$0x3FB3] =	sst s5  }
0xe: {  	[smem:$0x3FB4] =	sst s6  }
0xf: {  	[smem:$0x3FB5] =	sst s7  }
0x10: {  	[smem:$0x3FB6] =	sst s8  }
0x11: {  	[smem:$0x3FB7] =	sst s9;
	s0 =	simm.s32 @!p0 $0x0  }
0x12: {  	s1 =	sld [smem:$0x3F9D];
	s0 =	simm.s32 @p0 $0x1  }
0x13: {  	[smem:$0x3FB8] =	sst s0;
	s0 =	simm.s32 @!p1 $0x0  }
0x14: {  	s2 =	sld [smem:$0x3F9C];
	s0 =	simm.s32 @p1 $0x1  }
0x15: {  	[smem:$0x3FB9] =	sst s0;
	s0 =	simm.s32 @!p2 $0x0  }
0x16: {  	s3 =	sld [smem:$0x3FDB];
	s0 =	simm.s32 @p2 $0x1  }
0x17: {  	s4 =	simm.s32 $0x1BF5;
	[smem:$0x3FBB] =	sst s0  }
0x18: {  	s0 =	sld [smem:$0x3F9E];
	_ =	swait.ge [sflag:s4], $0x0  }
0x19: {  	s7 =	sld [smem:$0x3F9F]  }
0x1a: {  	s8 =	sadd.s32 $0xFFFFE003, lr  }
0x1b: {  	s9 =	sadd.s32 $0xFFFFFEF7, lr;
	s5 =	simm.s32 $0xFFFFFFFF;
	p2 =	slt.u32 s8, $0xFFFFF086  }
0x1c: {  	p1 =	slt.u32 s9, $0xF7A;
	s5 =	simm.s32 @!p2 $0x0  }
0x1d: {  	s5 =	simm.s32 @p1 $0x1;
	p0 =	seq.s32 s7, s2  }
0x1e: {  	s7 =	smul.u32 @!p0 $0xF7A, s2;
	p2 =	seq.s32 @!p0 s5, $0x0  }
0x1f: {  	s9 =	smul.u32 $0xF7A, s1;
	s8 =	simm.s32 @!p0 $0x1BF5;
	p2 =	por !p2, p0  }
0x20: {  	[sflag:s8] =	ssyncset.s32 @!p0 $0xFFFFF086;
	s6 =	sadd.s32 @!p0 s3, s7;
	s7 =	simm.s32 @!p0 $0x108  }
0x21: {  	s3 =	sadd.s32 s3, s9;
	s6 =	sadd.s32 @!p0 $0x88, s6;
	s7 =	simm.s32 @p2 $0x1082  }
0x22: {  	[simem:s7], [sflag:s8] =	dma.local @!p0 [hbm:s6], $0xF7A  }
0x23: {  	s9 =	sor.u32 $0xD0000000, s2;
	s6 =	simm.s32 $0x108;
	_ =	swait.ge @!p0 [sflag:s8], $0x0  }
0x24: {  	s3 =	sadd.s32 $0x88, s3;
	s6 =	simm.s32 @!p1 $0x1082;
	[sflag:s4] =	ssyncset.s32 $0xFFFFF086  }
0x25: {  	[simem:s6], [sflag:s4] =	dma.local [hbm:s3], $0xF7A  }
0x26: {  	[smem:$0x3F9F] =	sst s1;
	(tag) =	ssettag s2;
	_ =	strace s9  }
0x27: {  	s1 =	sld [smem:$0x3FAF]  }
0x28: {  	s2 =	sld [smem:$0x3FB0]  }
0x29: {  	s4 =	sld [smem:$0x3FB2]  }
0x2a: {  	p0 =	seq.s32 s5, $0x0;
	s5 =	sld [smem:$0x3FB3]  }
0x2b: {  	s6 =	sld [smem:$0x3FB4]  }
0x2c: {  	s7 =	sld [smem:$0x3FB5]  }
0x2d: {  	s3 =	simm.s32 $0x108;
	s8 =	sld [smem:$0x3FB6]  }
0x2e: {  	s3 =	simm.s32 @!p0 $0x1082;
	s9 =	sld [smem:$0x3FB7]  }
0x2f: {  	lr =	sadd.s32 s0, s3;
	s0 =	sld [smem:$0x3FAE]  }
0x30: {  	s3 =	sld [smem:$0x3FB1]  }
0x31: {  	[smem:$0x3FBA] =	sst s10  }
0x32: {  	s10 =	sld [smem:$0x3FB8];
	_ =	sdelay $0x3  }
0x33: {  	p0 =	seq.s32 s10, $0x1;
	s10 =	sld [smem:$0x3FBA];
	_ =	sdelay $0x3  }
0x34: {  	[smem:$0x3FBA] =	sst s10  }
0x35: {  	s10 =	sld [smem:$0x3FB9];
	_ =	sdelay $0x3  }
0x36: {  	p1 =	seq.s32 s10, $0x1;
	s10 =	sld [smem:$0x3FBA];
	_ =	sdelay $0x3  }
0x37: {  	[smem:$0x3FBA] =	sst s10  }
0x38: {  	s10 =	sld [smem:$0x3FBB]  }
0x39: {  	_ = 	snop;
	(pc) =	sbr.ind lr, $3  }
0x3a: {  	_ = 	snop  }
0x3b: {  	_ = 	snop  }
0x3c: {  	p2 =	seq.s32 s10, $0x1;
	s10 =	sld [smem:$0x3FBA]  }
0x3d: {  	_ =	shalt  }
0x3e: {  	_ =	shalt  }
0x3f: {  	_ =	shalt  }
0x40: {  	_ =	shalt  }
0x41: {  	_ =	shalt  }
0x42: {  	_ =	shalt  }
0x43: {  	_ =	shalt  }
0x44: {  	_ =	shalt  }
0x45: {  	_ =	shalt  }
0x46: {  	_ =	shalt  }
0x47: {  	_ =	shalt  }
0x48: {  	_ =	shalt  }
0x49: {  	_ =	shalt  }
0x4a: {  	_ =	shalt  }
0x4b: {  	_ =	shalt  }
0x4c: {  	_ =	shalt  }
0x4d: {  	_ =	shalt  }
0x4e: {  	_ =	shalt  }
0x4f: {  	_ =	shalt  }
0x50: {  	_ =	shalt  }
0x51: {  	_ =	shalt  }
0x52: {  	_ =	shalt  }
0x53: {  	_ =	shalt  }
0x54: {  	_ =	shalt  }
0x55: {  	_ =	shalt  }
0x56: {  	_ =	shalt  }
0x57: {  	_ =	shalt  }
0x58: {  	_ =	shalt  }
0x59: {  	_ =	shalt  }
0x5a: {  	_ =	shalt  }
0x5b: {  	_ =	shalt  }
0x5c: {  	_ =	shalt  }
0x5d: {  	_ =	shalt  }
0x5e: {  	_ =	shalt  }
0x5f: {  	_ =	shalt  }
0x60: {  	_ =	shalt  }
0x61: {  	_ =	shalt  }
0x62: {  	_ =	shalt  }
0x63: {  	_ =	shalt  }
0x64: {  	_ =	shalt  }
0x65: {  	_ =	shalt  }
0x66: {  	_ =	shalt  }
0x67: {  	_ =	shalt  }
0x68: {  	_ =	shalt  }
0x69: {  	_ =	shalt  }
0x6a: {  	_ =	shalt  }
0x6b: {  	_ =	shalt  }
0x6c: {  	_ =	shalt  }
0x6d: {  	_ =	shalt  }
0x6e: {  	_ =	shalt  }
0x6f: {  	_ =	shalt  }
0x70: {  	_ =	shalt  }
0x71: {  	_ =	shalt  }
0x72: {  	_ =	shalt  }
0x73: {  	_ =	shalt  }
0x74: {  	_ =	shalt  }
0x75: {  	_ =	shalt  }
0x76: {  	_ =	shalt  }
0x77: {  	_ =	shalt  }
0x78: {  	_ =	shalt  }
0x79: {  	_ =	shalt  }
0x7a: {  	_ =	shalt  }
0x7b: {  	_ =	shalt  }
0x7c: {  	_ =	shalt  }
0x7d: {  	_ =	shalt  }
0x7e: {  	_ =	shalt  }
0x7f: {  	_ =	shalt  }
0x80: {  	_ =	shalt  }
0x81: {  	_ =	shalt  }
0x82: {  	_ =	shalt  }
0x83: {  	_ =	shalt  }
0x84: {  	_ =	shalt  }
0x85: {  	_ =	shalt  }
0x86: {  	_ =	shalt  }
0x87: {  	_ =	shalt  }
.Lfunc_end0:
.L_simem_size_0:
called_computation.1_lowered:
.L_overlay_start_0:
0x88: {  	s2 =	sld [smem:$0x3FD9]  }
0x89: {  	s3 =	sld [smem:$0x3FFE];
	_ =	sdelay $0x1  }
0x8a: {  	s1 =	srdreg.scid  }
0x8b: {  	s0 =	sand.u32 $0x1, s1  }
0x8c: {  	s17 =	sshll.u32 s0, $0xA;
	s2 =	sadd.s32 s3, s2  }
0x8d: {  	s2 =	sadd.s32 s2, s17  }
0x8e: {  	[smem:$0x3FC6] =	sst s2  }
0x8f: {  	_ = 	snop  }
0x90: {  	s2 =	sld [smem:$0x3FD0];
	(tm) =	ssettm $0x1  }
0x91: {  	s18 =	sld [smem:$0x3FFB];
	_ =	sdelay $0x3  }
0x92: {  	_ =	strace s18  }
0x93: {  	s3 =	sld [smem:$0x3FFC];
	_ =	sdelay $0x3  }
0x94: {  	_ =	strace s3  }
0x95: {  	s3 =	sld [smem:$0x3FFD];
	_ =	sdelay $0x3  }
0x96: {  	_ =	strace s3  }
0x97: {  	_ =	strace $0x8FFFFFFF  }
0x98: {  	s19 =	sld [smem:$0x3FDB];
	_ =	sdelay $0x1  }
0x99: {  	s4 =	simm.s32 $_scs_section_size  }
0x9a: {  	s5 =	simm.s32 $_size__tile_overlayer_lowered;
	s6 =	simm.s32 $_tile_overlayer_lowered  }
0x9b: {  	s22 =	simm.s32 $0x1BFF;
	s21 =	sshll.u32 s6, $0x1;
	s3 =	sadd.s32 s4, s19  }
0x9c: {  	s7 =	simm.s32 $0x0;
	s20 =	sshll.u32 s5, $0x1;
	s5 =	sadd.s32 s21, s3  }
0x9d: {  	[timem:s7], [sflag:s22] =	dma.local [hbm:s5], s20  }
0x9e: {  	_ =	swait.ge [sflag:s22], s20  }
0x9f: {  	s4 =	ssub.s32 $0x0, s20;
	[sflag:s22] =	ssyncset.done $0x0  }
0xa0: {  	[sflag:s22] =	ssyncadd.s32 s4;
	_ =	sdelay $0x1  }
0xa1: {  	s23 =	simm.s32 $0x1B8B  }
0xa2: {  	_ =	swait.ge [sflag:s23], $0x1  }
0xa3: {  	[sflag:s23] =	ssyncset.done $0x0  }
0xa4: {  	s25 =	simm.s32 $0x1B8E;
	s24 =	sld [smem:$0x3FFE];
	[sflag:s23] =	ssyncadd.s32 $0xFFFFFFFF  }
0xa5: {  	s26 =	simm.s32 $execute0_lowered;
	[smem:$0x3FD2] =	sst s25  }
0xa6: {  	s5 =	sshll.u32 s26, $0x1;
	_ =	strace $0x80000046;
	[dreg:$0x1] =	wrdreg $0xFFFFFFFF  }
0xa7: {  	s28 =	simm.s32 $_size_execute0_lowered;
	s3 =	sadd.s32 s3, s5;
	[dreg:$0x0] =	wrdreg $0x0  }
0xa8: {  	s5 =	sshll.u32 s28, $0x1;
	[dreg:$0x2] =	wrdreg s3  }
0xa9: {  	[dreg:$0x3] =	wrdreg s5  }
0xaa: {  	[dreg:$0x4] =	wrdreg $0xC0  }
0xab: {  	_ =	task [dreg:s7], $0x5FFFF  }
0xac: {  	[dreg:$0x1] =	wrdreg $0xFFFFFFFF  }
0xad: {  	[dreg:$0x0] =	wrdreg $0x60  }
0xae: {  	[dreg:$0x2] =	wrdreg s24  }
0xaf: {  	[dreg:$0x3] =	wrdreg s2  }
0xb0: {  	[dreg:$0x4] =	wrdreg $0x9  }
0xb1: {  	_ =	task.clear_ibuf [dreg:s7], $0x5FFFF;
	_ =	strace $0x90000046  }
0xb2: {  	s29 =	simm.s32 $0x9;
	_ =	strace $0x80000048  }
0xb3: {  	_ =	swait.ge [sflag:s29], $0x1  }
0xb4: {  	[sflag:s29] =	ssyncadd.s32 $0xFFFFFFFF  }
0xb5: {  	_ =	strace $0x90000048  }
0xb6: {  	_ =	sfence  }
0xb7: {  	s30 =	sld [smem:$0x0];
	_ =	sdelay $0x2  }
0xb8: {  	s31 =	sshll.u32 s1, $0xD;
	s1 =	sshrl.u32 s1, $0x2  }
0xb9: {  	s3 =	sand.u32 $0x4000, s31;
	s1 =	sadd.s32 s1, s30  }
0xba: {  	s0 =	sor.u32 s3, s0;
	s1 =	sshll.u32 s1, $0x11  }
0xbb: {  	s0 =	sor.u32 s1, s0  }
0xbc: {  	s0 =	sadd.s32 $0x8F2B, s0  }
0xbd: {  	[sflag:s0] =	ssyncadd.remote.s32 $0x1  }
0xbe: {  	_ =	sfence.sel $0xFFFF  }
0xbf: {  	[dreg:$0x0] =	wrdreg $0xFFFFFFFF;
	(pc) =	sbr.abs _section_cstart, $3  }
0xc0: {  	[dreg:$0x1] =	wrdreg $0xFFFFFFFF  }
0xc1: {  	_ =	task.clear_ibuf [dreg:s7], $0x2FFFF;
	_ =	strace $0x9FFFFFFF  }
0xc2: {  	(tm) =	ssettm $0x7FFFFFFF  }
0xc3: {  	_ =	shalt  }
tec
execute0_lowered:
.L_overlay_start_1:
0x0: {  	(tag) =	ssettag $0x1  }
0x1: {  	s4 =	rddreg [dreg:$0x0]  }
0x2: {  	s5 =	rddreg [dreg:$0x1]  }
0x3: {  	s2 =	srdreg.scid;
	s0 =	rddreg [dreg:$0x2]  }
0x4: {  	s1 =	stileid.u32;
	s10 =	simm.s32 $0x1;
	s11 =	simm.s32 $0x2  }
0x5: {  	s12 =	simm.s32 $0x0;
	s6 =	sand.u32 $0x1, s2;
	s3 =	sshrl.u32 s1, $0x2  }
0x6: {  	s7 =	sshll.u32 s1, $0x8;
	s2 =	simm.s32 $0x0;
	s9 =	sshll.u32 s1, $0xD  }
0x7: {  	s8 =	sshll.u32 s6, $0x7;
	s3 =	smul.u32 $0xC800, s3;
	[smem:$0x7FF] =	sst s2  }
0x8: {  	s29 =	ssub.s32 $0x2, s6;
	s31 =	sadd.s32 s9, s5;
	s7 =	sor.u32 s8, s7  }
0x9: {  	s6 =	sshll.u32 s6, $0xC;
	s9 =	simm.s32 $0x400;
	s7 =	sand.u32 $0x380, s7  }
0xa: {  	_ =	strace $0x80000047;
	s30 =	sshrl.u32 s29, $0x1;
	s7 =	sor.u32 s3, s7  }
0xb: {  	s6 =	sadd.s32 s6, s31;
	s8 =	simm.s32 $0x80;
	s7 =	sshrl.u32 s7, $0x3  }
0xc: {  	s3 =	sadd.s32 $0x800, s4;
	s4 =	sadd.s32 s7, s4;
	s7 =	ssub.s32 s29, s30  }
0xd: {  	s4 =	sadd.s32 $0x1400, s4;
	s5 =	smax.u32 s7, $0x1;
	s7 =	simm.s32 $0x3  }
.LBB2_1:
0xe: {  	[tilespmem:s2], [sflag:$0x3] =	stream.linear.gather [hbm4b:s3+s2], $0x6000, $0x38;
	[tilespmem:$0x7900] =	vst v63  }
0xf: {  	_ =	swait.ge [sflag:s7], $0x6000  }
0x10: {  	[sflag:s7] =	ssyncset.done $0x0  }
0x11: {  	s13 =	simm.s32 $0x6000;
	[sflag:s7] =	ssyncadd.s32 $0xFFFFA000  }
0x12: {  	[tilespmem:s13], [sflag:$0x3] =	stream.strided.gather [hbm4b:s4+s8], $0x1900, s9, s8, $0x38;
	[tilespmem:$0x7900] =	vst v63  }
0x13: {  	_ =	swait.ge [sflag:s7], $0x1900  }
0x14: {  	[sflag:s7] =	ssyncset.done $0x0  }
0x15: {  	[sflag:s7] =	ssyncadd.s32 $0xFFFFE700  }
0x16: {  	v0 =	vld [tilespmem:s13+$0x0];
	_ =	sdelay $0x4  }
0x17: {  	v0 =	vshll.u32 v0, $0xA  }
0x18: {  	v0 =	vshra.s32 v0, $0x2  }
0x19: {  	(v2sf) =	vpush v0, $0x0;
	_ =	sdelay $0x1  }
0x1a: {  	(v2sf) =	vpush v0, $0x1;
	_ =	sdelay $0x1  }
0x1b: {  	(v2sf) =	vpush v0, $0x2;
	_ =	sdelay $0x1  }
0x1c: {  	(v2sf) =	vpush v0, $0x3;
	_ =	sdelay $0x1  }
0x1d: {  	(v2sf) =	vpush v0, $0x4;
	_ =	sdelay $0x1  }
0x1e: {  	(v2sf) =	vpush v0, $0x5;
	_ =	sdelay $0x1  }
0x1f: {  	(v2sf) =	vpush v0, $0x6;
	_ =	sdelay $0x1  }
0x20: {  	(v2sf) =	vpush v0, $0x7  }
0x21: {  	s14 =	sadd.s32 $0x0, s6;
	s19 =	spop (v2sf)  }
0x22: {  	(v2sf) =	vpush v0, $0x8;
	[hbm4b:s14+s2] =	stream.linear.scatter [tilespmem:s19], [sflag:$0x1], $0x100, $0x38;
	[tilespmem:$0x7900] =	vst v63  }
0x23: {  	s20 =	sadd.s32 $0x20, s14;
	s15 =	spop (v2sf);
	(v2sf) =	vpush v0, $0x9  }
0x24: {  	[hbm4b:s20+s2] =	stream.linear.scatter [tilespmem:s15], [sflag:$0x1], $0x100, $0x38;
	[tilespmem:$0x7900] =	vst v63  }
0x25: {  	s21 =	sadd.s32 $0x40, s14;
	s22 =	spop (v2sf);
	(v2sf) =	vpush v0, $0xA  }
0x26: {  	[hbm4b:s21+s2] =	stream.linear.scatter [tilespmem:s22], [sflag:$0x1], $0x100, $0x38;
	[tilespmem:$0x7900] =	vst v63  }
0x27: {  	s23 =	sadd.s32 $0x60, s14;
	s24 =	spop (v2sf);
	(v2sf) =	vpush v0, $0xB  }
0x28: {  	[hbm4b:s23+s2] =	stream.linear.scatter [tilespmem:s24], [sflag:$0x1], $0x100, $0x38;
	[tilespmem:$0x7900] =	vst v63  }
0x29: {  	s25 =	sadd.s32 $0x80, s14;
	s26 =	spop (v2sf);
	(v2sf) =	vpush v0, $0xC  }
0x2a: {  	[hbm4b:s25+s2] =	stream.linear.scatter [tilespmem:s26], [sflag:$0x1], $0x100, $0x38;
	[tilespmem:$0x7900] =	vst v63  }
0x2b: {  	s28 =	sadd.s32 $0xA0, s14;
	s29 =	spop (v2sf);
	(v2sf) =	vpush v0, $0xD  }
0x2c: {  	[hbm4b:s28+s2] =	stream.linear.scatter [tilespmem:s29], [sflag:$0x1], $0x100, $0x38;
	[tilespmem:$0x7900] =	vst v63  }
0x2d: {  	s30 =	sadd.s32 $0xC0, s14;
	s31 =	spop (v2sf);
	(v2sf) =	vpush v0, $0xE  }
0x2e: {  	[hbm4b:s30+s2] =	stream.linear.scatter [tilespmem:s31], [sflag:$0x1], $0x100, $0x38;
	[tilespmem:$0x7900] =	vst v63  }
0x2f: {  	s15 =	sadd.s32 $0xE0, s14;
	s16 =	spop (v2sf);
	(v2sf) =	vpush v0, $0xF  }
0x30: {  	[hbm4b:s15+s2] =	stream.linear.scatter [tilespmem:s16], [sflag:$0x1], $0x100, $0x38;
	[tilespmem:$0x7900] =	vst v63  }
0x31: {  	s18 =	spop (v2sf)  }
0x32: {  	s17 =	sadd.s32 $0x100, s14;
	s20 =	spop (v2sf)  }
0x33: {  	[hbm4b:s17+s2] =	stream.linear.scatter [tilespmem:s18], [sflag:$0x1], $0x100, $0x38;
	[tilespmem:$0x7900] =	vst v63  }
0x34: {  	s19 =	sadd.s32 $0x120, s14;
	s22 =	spop (v2sf)  }
0x35: {  	[hbm4b:s19+s2] =	stream.linear.scatter [tilespmem:s20], [sflag:$0x1], $0x100, $0x38;
	[tilespmem:$0x7900] =	vst v63  }
0x36: {  	s21 =	sadd.s32 $0x140, s14;
	s24 =	spop (v2sf)  }
0x37: {  	[hbm4b:s21+s2] =	stream.linear.scatter [tilespmem:s22], [sflag:$0x1], $0x100, $0x38;
	[tilespmem:$0x7900] =	vst v63  }
0x38: {  	s13 =	simm.s32 $0x200;
	s23 =	sadd.s32 $0x160, s14;
	s26 =	spop (v2sf)  }
0x39: {  	[hbm4b:s23+s2] =	stream.linear.scatter [tilespmem:s24], [sflag:$0x1], $0x100, $0x38;
	[tilespmem:$0x7900] =	vst v63  }
0x3a: {  	s25 =	sadd.s32 $0x180, s14;
	s28 =	sadd.s32 $0x1A0, s14;
	s29 =	spop (v2sf)  }
0x3b: {  	[hbm4b:s25+s2] =	stream.linear.scatter [tilespmem:s26], [sflag:$0x1], $0x100, $0x38;
	[tilespmem:$0x7900] =	vst v63  }
0x3c: {  	s30 =	sadd.s32 $0x1C0, s14;
	s16 =	sadd.s32 $0x1E0, s14;
	s31 =	spop (v2sf)  }
0x3d: {  	[hbm4b:s28+s2] =	stream.linear.scatter [tilespmem:s29], [sflag:$0x1], $0x100, $0x38;
	[tilespmem:$0x7900] =	vst v63  }
0x3e: {  	s14 =	simm.s32 $0x6010;
	s15 =	simm.s32 $0x0;
	s17 =	spop (v2sf)  }
0x3f: {  	[hbm4b:s30+s2] =	stream.linear.scatter [tilespmem:s31], [sflag:$0x1], $0x100, $0x38;
	[tilespmem:$0x7900] =	vst v63  }
.LBB2_2:
0x40: {  	[hbm4b:s16+s15] =	stream.linear.scatter [tilespmem:s17], [sflag:$0x1], $0x100, $0x38;
	[tilespmem:$0x7900] =	vst v63  }
0x41: {  	p0 =	sne.s32 s13, $0xE00;
	s15 =	smov.u32 s13;
	s13 =	sadd.s32 $0x200, s13;
	v0 =	vld [tilespmem:s14+$0x0]  }
0x42: {  	_ =	sdelay $0x3  }
0x43: {  	v0 =	vshll.u32 v0, $0xA  }
0x44: {  	v0 =	vshra.s32 v0, $0x2  }
0x45: {  	(v2sf) =	vpush v0, $0x0;
	_ =	sdelay $0x1  }
0x46: {  	(v2sf) =	vpush v0, $0x1;
	_ =	sdelay $0x1  }
0x47: {  	(v2sf) =	vpush v0, $0x2;
	_ =	sdelay $0x1  }
0x48: {  	(v2sf) =	vpush v0, $0x3;
	_ =	sdelay $0x1  }
0x49: {  	(v2sf) =	vpush v0, $0x4;
	_ =	sdelay $0x1  }
0x4a: {  	(v2sf) =	vpush v0, $0x5;
	_ =	sdelay $0x1  }
0x4b: {  	(v2sf) =	vpush v0, $0x6;
	_ =	sdelay $0x1  }
0x4c: {  	(v2sf) =	vpush v0, $0x7  }
0x4d: {  	s16 =	sadd.s32 s15, s6;
	s15 =	simm.s32 $0x0;
	s17 =	spop (v2sf)  }
0x4e: {  	[hbm4b:s16+s15] =	stream.linear.scatter [tilespmem:s17], [sflag:$0x1], $0x100, $0x38;
	(v2sf) =	vpush v0, $0x8;
	[tilespmem:$0x7900] =	vst v63  }
0x4f: {  	s17 =	sadd.s32 $0x20, s16;
	s18 =	spop (v2sf)  }
0x50: {  	[hbm4b:s17+s15] =	stream.linear.scatter [tilespmem:s18], [sflag:$0x1], $0x100, $0x38;
	(v2sf) =	vpush v0, $0x9;
	[tilespmem:$0x7900] =	vst v63  }
0x51: {  	s17 =	sadd.s32 $0x40, s16;
	s18 =	spop (v2sf)  }
0x52: {  	[hbm4b:s17+s15] =	stream.linear.scatter [tilespmem:s18], [sflag:$0x1], $0x100, $0x38;
	(v2sf) =	vpush v0, $0xA;
	[tilespmem:$0x7900] =	vst v63  }
0x53: {  	s17 =	sadd.s32 $0x60, s16;
	s18 =	spop (v2sf)  }
0x54: {  	[hbm4b:s17+s15] =	stream.linear.scatter [tilespmem:s18], [sflag:$0x1], $0x100, $0x38;
	(v2sf) =	vpush v0, $0xB;
	[tilespmem:$0x7900] =	vst v63  }
0x55: {  	s17 =	sadd.s32 $0x80, s16;
	s18 =	spop (v2sf)  }
0x56: {  	[hbm4b:s17+s15] =	stream.linear.scatter [tilespmem:s18], [sflag:$0x1], $0x100, $0x38;
	(v2sf) =	vpush v0, $0xC;
	[tilespmem:$0x7900] =	vst v63  }
0x57: {  	s17 =	sadd.s32 $0xA0, s16;
	s18 =	spop (v2sf)  }
0x58: {  	[hbm4b:s17+s15] =	stream.linear.scatter [tilespmem:s18], [sflag:$0x1], $0x100, $0x38;
	(v2sf) =	vpush v0, $0xD;
	[tilespmem:$0x7900] =	vst v63  }
0x59: {  	s17 =	sadd.s32 $0xC0, s16;
	s18 =	spop (v2sf)  }
0x5a: {  	[hbm4b:s17+s15] =	stream.linear.scatter [tilespmem:s18], [sflag:$0x1], $0x100, $0x38;
	(v2sf) =	vpush v0, $0xE;
	[tilespmem:$0x7900] =	vst v63  }
0x5b: {  	s17 =	sadd.s32 $0xE0, s16;
	s18 =	spop (v2sf)  }
0x5c: {  	[hbm4b:s17+s15] =	stream.linear.scatter [tilespmem:s18], [sflag:$0x1], $0x100, $0x38;
	(v2sf) =	vpush v0, $0xF;
	[tilespmem:$0x7900] =	vst v63  }
0x5d: {  	s17 =	sadd.s32 $0x100, s16;
	s18 =	spop (v2sf)  }
0x5e: {  	[hbm4b:s17+s15] =	stream.linear.scatter [tilespmem:s18], [sflag:$0x1], $0x100, $0x38;
	[tilespmem:$0x7900] =	vst v63  }
0x5f: {  	s17 =	sadd.s32 $0x120, s16;
	s18 =	spop (v2sf)  }
0x60: {  	[hbm4b:s17+s15] =	stream.linear.scatter [tilespmem:s18], [sflag:$0x1], $0x100, $0x38;
	[tilespmem:$0x7900] =	vst v63  }
0x61: {  	s17 =	sadd.s32 $0x140, s16;
	s18 =	spop (v2sf)  }
0x62: {  	[hbm4b:s17+s15] =	stream.linear.scatter [tilespmem:s18], [sflag:$0x1], $0x100, $0x38;
	[tilespmem:$0x7900] =	vst v63  }
0x63: {  	s17 =	sadd.s32 $0x160, s16;
	s18 =	spop (v2sf)  }
0x64: {  	[hbm4b:s17+s15] =	stream.linear.scatter [tilespmem:s18], [sflag:$0x1], $0x100, $0x38;
	[tilespmem:$0x7900] =	vst v63  }
0x65: {  	s17 =	sadd.s32 $0x180, s16;
	s18 =	spop (v2sf)  }
0x66: {  	[hbm4b:s17+s15] =	stream.linear.scatter [tilespmem:s18], [sflag:$0x1], $0x100, $0x38;
	[tilespmem:$0x7900] =	vst v63  }
.Ltmp0:
0x67: {  	s17 =	sadd.s32 $0x1A0, s16;
	s18 =	spop (v2sf);
	(pc) =	sbr.rel @p0 .LBB2_2-.Ltmp0, $4  }
0x68: {  	[hbm4b:s17+s15] =	stream.linear.scatter [tilespmem:s18], [sflag:$0x1], $0x100, $0x38;
	[tilespmem:$0x7900] =	vst v63  }
0x69: {  	s17 =	sadd.s32 $0x1C0, s16;
	s18 =	spop (v2sf)  }
0x6a: {  	[hbm4b:s17+s15] =	stream.linear.scatter [tilespmem:s18], [sflag:$0x1], $0x100, $0x38;
	[tilespmem:$0x7900] =	vst v63  }
0x6b: {  	s14 =	sadd.s32 $0x10, s14;
	s16 =	sadd.s32 $0x1E0, s16;
	s17 =	spop (v2sf)  }
0x6c: {  	[hbm4b:s16+s15] =	stream.linear.scatter [tilespmem:s17], [sflag:$0x1], $0x100, $0x38;
	[tilespmem:$0x7900] =	vst v63  }
0x6d: {  	s13 =	simm.s32 $0x6080  }
0x6e: {  	v0 =	vld [tilespmem:s13+$0x0];
	_ =	sdelay $0x4  }
0x6f: {  	v0 =	vshll.u32 v0, $0xA  }
0x70: {  	v0 =	vshra.s32 v0, $0x2  }
0x71: {  	(v2sf) =	vpush v0, $0x0;
	_ =	sdelay $0x1  }
0x72: {  	(v2sf) =	vpush v0, $0x1;
	_ =	sdelay $0x1  }
0x73: {  	(v2sf) =	vpush v0, $0x2;
	_ =	sdelay $0x1  }
0x74: {  	(v2sf) =	vpush v0, $0x3;
	_ =	sdelay $0x1  }
0x75: {  	(v2sf) =	vpush v0, $0x4;
	_ =	sdelay $0x1  }
0x76: {  	(v2sf) =	vpush v0, $0x5;
	_ =	sdelay $0x1  }
0x77: {  	(v2sf) =	vpush v0, $0x6;
	_ =	sdelay $0x1  }
0x78: {  	s14 =	sadd.s32 $0x0, s6;
	(v2sf) =	vpush v0, $0x7  }
0x79: {  	s17 =	sadd.s32 $0x20000, s14;
	s18 =	spop (v2sf)  }
0x7a: {  	(v2sf) =	vpush v0, $0x8;
	[hbm4b:s17+s2] =	stream.linear.scatter [tilespmem:s18], [sflag:$0x2], $0x100, $0x38;
	[tilespmem:$0x7900] =	vst v63  }
0x7b: {  	s19 =	sadd.s32 $0x20020, s14;
	s20 =	spop (v2sf);
	(v2sf) =	vpush v0, $0x9  }
0x7c: {  	[hbm4b:s19+s2] =	stream.linear.scatter [tilespmem:s20], [sflag:$0x2], $0x100, $0x38;
	[tilespmem:$0x7900] =	vst v63  }
0x7d: {  	s21 =	sadd.s32 $0x20040, s14;
	s22 =	spop (v2sf);
	(v2sf) =	vpush v0, $0xA  }
0x7e: {  	[hbm4b:s21+s2] =	stream.linear.scatter [tilespmem:s22], [sflag:$0x2], $0x100, $0x38;
	[tilespmem:$0x7900] =	vst v63  }
0x7f: {  	s23 =	sadd.s32 $0x20060, s14;
	s24 =	spop (v2sf);
	(v2sf) =	vpush v0, $0xB  }
0x80: {  	[hbm4b:s23+s2] =	stream.linear.scatter [tilespmem:s24], [sflag:$0x2], $0x100, $0x38;
	[tilespmem:$0x7900] =	vst v63  }
0x81: {  	s25 =	sadd.s32 $0x20080, s14;
	s26 =	spop (v2sf);
	(v2sf) =	vpush v0, $0xC  }
0x82: {  	[hbm4b:s25+s2] =	stream.linear.scatter [tilespmem:s26], [sflag:$0x2], $0x100, $0x38;
	[tilespmem:$0x7900] =	vst v63  }
0x83: {  	s28 =	sadd.s32 $0x200A0, s14;
	s29 =	spop (v2sf);
	(v2sf) =	vpush v0, $0xD  }
0x84: {  	[hbm4b:s28+s2] =	stream.linear.scatter [tilespmem:s29], [sflag:$0x2], $0x100, $0x38;
	[tilespmem:$0x7900] =	vst v63  }
0x85: {  	s30 =	sadd.s32 $0x200C0, s14;
	s31 =	spop (v2sf);
	(v2sf) =	vpush v0, $0xE  }
0x86: {  	[hbm4b:s30+s2] =	stream.linear.scatter [tilespmem:s31], [sflag:$0x2], $0x100, $0x38;
	[tilespmem:$0x7900] =	vst v63  }
0x87: {  	s15 =	sadd.s32 $0x200E0, s14;
	s16 =	spop (v2sf);
	(v2sf) =	vpush v0, $0xF  }
0x88: {  	[hbm4b:s15+s2] =	stream.linear.scatter [tilespmem:s16], [sflag:$0x2], $0x100, $0x38;
	[tilespmem:$0x7900] =	vst v63  }
0x89: {  	s18 =	spop (v2sf)  }
0x8a: {  	s17 =	sadd.s32 $0x20100, s14;
	s20 =	spop (v2sf)  }
0x8b: {  	[hbm4b:s17+s2] =	stream.linear.scatter [tilespmem:s18], [sflag:$0x2], $0x100, $0x38;
	[tilespmem:$0x7900] =	vst v63  }
0x8c: {  	s19 =	sadd.s32 $0x20120, s14;
	s22 =	spop (v2sf)  }
0x8d: {  	[hbm4b:s19+s2] =	stream.linear.scatter [tilespmem:s20], [sflag:$0x2], $0x100, $0x38;
	[tilespmem:$0x7900] =	vst v63  }
0x8e: {  	s21 =	sadd.s32 $0x20140, s14;
	s24 =	spop (v2sf)  }
0x8f: {  	[hbm4b:s21+s2] =	stream.linear.scatter [tilespmem:s22], [sflag:$0x2], $0x100, $0x38;
	[tilespmem:$0x7900] =	vst v63  }
0x90: {  	s23 =	sadd.s32 $0x20160, s14;
	s26 =	spop (v2sf)  }
0x91: {  	[hbm4b:s23+s2] =	stream.linear.scatter [tilespmem:s24], [sflag:$0x2], $0x100, $0x38;
	[tilespmem:$0x7900] =	vst v63  }
0x92: {  	s13 =	simm.s32 $0x200;
	s25 =	sadd.s32 $0x20180, s14;
	s29 =	spop (v2sf)  }
0x93: {  	[hbm4b:s25+s2] =	stream.linear.scatter [tilespmem:s26], [sflag:$0x2], $0x100, $0x38;
	[tilespmem:$0x7900] =	vst v63  }
0x94: {  	s28 =	sadd.s32 $0x201A0, s14;
	s30 =	sadd.s32 $0x201C0, s14;
	s31 =	spop (v2sf)  }
0x95: {  	[hbm4b:s28+s2] =	stream.linear.scatter [tilespmem:s29], [sflag:$0x2], $0x100, $0x38;
	[tilespmem:$0x7900] =	vst v63  }
0x96: {  	s15 =	sadd.s32 $0x201E0, s14;
	s14 =	simm.s32 $0x6090;
	s16 =	spop (v2sf)  }
0x97: {  	[hbm4b:s30+s2] =	stream.linear.scatter [tilespmem:s31], [sflag:$0x2], $0x100, $0x38;
	[tilespmem:$0x7900] =	vst v63  }
.LBB2_4:
0x98: {  	[hbm4b:s15+s2] =	stream.linear.scatter [tilespmem:s16], [sflag:$0x2], $0x100, $0x38;
	[tilespmem:$0x7900] =	vst v63  }
0x99: {  	p0 =	sne.s32 s13, $0xE00;
	s15 =	smov.u32 s13;
	s13 =	sadd.s32 $0x200, s13;
	v0 =	vld [tilespmem:s14+$0x0]  }
0x9a: {  	_ =	sdelay $0x3  }
0x9b: {  	v0 =	vshll.u32 v0, $0xA  }
0x9c: {  	v0 =	vshra.s32 v0, $0x2  }
0x9d: {  	(v2sf) =	vpush v0, $0x0;
	_ =	sdelay $0x1  }
0x9e: {  	(v2sf) =	vpush v0, $0x1;
	_ =	sdelay $0x1  }
0x9f: {  	(v2sf) =	vpush v0, $0x2;
	_ =	sdelay $0x1  }
0xa0: {  	(v2sf) =	vpush v0, $0x3;
	_ =	sdelay $0x1  }
0xa1: {  	(v2sf) =	vpush v0, $0x4;
	_ =	sdelay $0x1  }
0xa2: {  	(v2sf) =	vpush v0, $0x5;
	_ =	sdelay $0x1  }
0xa3: {  	(v2sf) =	vpush v0, $0x6;
	_ =	sdelay $0x1  }
0xa4: {  	s15 =	sadd.s32 s15, s6;
	(v2sf) =	vpush v0, $0x7  }
0xa5: {  	s16 =	sadd.s32 $0x20000, s15;
	s17 =	spop (v2sf)  }
0xa6: {  	[hbm4b:s16+s2] =	stream.linear.scatter [tilespmem:s17], [sflag:$0x2], $0x100, $0x38;
	(v2sf) =	vpush v0, $0x8;
	[tilespmem:$0x7900] =	vst v63  }
0xa7: {  	s16 =	sadd.s32 $0x20020, s15;
	s17 =	spop (v2sf)  }
0xa8: {  	[hbm4b:s16+s2] =	stream.linear.scatter [tilespmem:s17], [sflag:$0x2], $0x100, $0x38;
	(v2sf) =	vpush v0, $0x9;
	[tilespmem:$0x7900] =	vst v63  }
0xa9: {  	s16 =	sadd.s32 $0x20040, s15;
	s17 =	spop (v2sf)  }
0xaa: {  	[hbm4b:s16+s2] =	stream.linear.scatter [tilespmem:s17], [sflag:$0x2], $0x100, $0x38;
	(v2sf) =	vpush v0, $0xA;
	[tilespmem:$0x7900] =	vst v63  }
0xab: {  	s16 =	sadd.s32 $0x20060, s15;
	s17 =	spop (v2sf)  }
0xac: {  	[hbm4b:s16+s2] =	stream.linear.scatter [tilespmem:s17], [sflag:$0x2], $0x100, $0x38;
	(v2sf) =	vpush v0, $0xB;
	[tilespmem:$0x7900] =	vst v63  }
0xad: {  	s16 =	sadd.s32 $0x20080, s15;
	s17 =	spop (v2sf)  }
0xae: {  	[hbm4b:s16+s2] =	stream.linear.scatter [tilespmem:s17], [sflag:$0x2], $0x100, $0x38;
	(v2sf) =	vpush v0, $0xC;
	[tilespmem:$0x7900] =	vst v63  }
0xaf: {  	s16 =	sadd.s32 $0x200A0, s15;
	s17 =	spop (v2sf)  }
0xb0: {  	[hbm4b:s16+s2] =	stream.linear.scatter [tilespmem:s17], [sflag:$0x2], $0x100, $0x38;
	(v2sf) =	vpush v0, $0xD;
	[tilespmem:$0x7900] =	vst v63  }
0xb1: {  	s16 =	sadd.s32 $0x200C0, s15;
	s17 =	spop (v2sf)  }
0xb2: {  	[hbm4b:s16+s2] =	stream.linear.scatter [tilespmem:s17], [sflag:$0x2], $0x100, $0x38;
	(v2sf) =	vpush v0, $0xE;
	[tilespmem:$0x7900] =	vst v63  }
0xb3: {  	s16 =	sadd.s32 $0x200E0, s15;
	s17 =	spop (v2sf)  }
0xb4: {  	[hbm4b:s16+s2] =	stream.linear.scatter [tilespmem:s17], [sflag:$0x2], $0x100, $0x38;
	(v2sf) =	vpush v0, $0xF;
	[tilespmem:$0x7900] =	vst v63  }
0xb5: {  	s16 =	sadd.s32 $0x20100, s15;
	s17 =	spop (v2sf)  }
0xb6: {  	[hbm4b:s16+s2] =	stream.linear.scatter [tilespmem:s17], [sflag:$0x2], $0x100, $0x38;
	[tilespmem:$0x7900] =	vst v63  }
0xb7: {  	s16 =	sadd.s32 $0x20120, s15;
	s17 =	spop (v2sf)  }
0xb8: {  	[hbm4b:s16+s2] =	stream.linear.scatter [tilespmem:s17], [sflag:$0x2], $0x100, $0x38;
	[tilespmem:$0x7900] =	vst v63  }
0xb9: {  	s16 =	sadd.s32 $0x20140, s15;
	s17 =	spop (v2sf)  }
0xba: {  	[hbm4b:s16+s2] =	stream.linear.scatter [tilespmem:s17], [sflag:$0x2], $0x100, $0x38;
	[tilespmem:$0x7900] =	vst v63  }
0xbb: {  	s16 =	sadd.s32 $0x20160, s15;
	s17 =	spop (v2sf)  }
0xbc: {  	[hbm4b:s16+s2] =	stream.linear.scatter [tilespmem:s17], [sflag:$0x2], $0x100, $0x38;
	[tilespmem:$0x7900] =	vst v63  }
0xbd: {  	s16 =	sadd.s32 $0x20180, s15;
	s17 =	spop (v2sf)  }
0xbe: {  	[hbm4b:s16+s2] =	stream.linear.scatter [tilespmem:s17], [sflag:$0x2], $0x100, $0x38;
	[tilespmem:$0x7900] =	vst v63  }
.Ltmp1:
0xbf: {  	s16 =	sadd.s32 $0x201A0, s15;
	s17 =	spop (v2sf);
	(pc) =	sbr.rel @p0 .LBB2_4-.Ltmp1, $4  }
0xc0: {  	[hbm4b:s16+s2] =	stream.linear.scatter [tilespmem:s17], [sflag:$0x2], $0x100, $0x38;
	[tilespmem:$0x7900] =	vst v63  }
0xc1: {  	s16 =	sadd.s32 $0x201C0, s15;
	s17 =	spop (v2sf)  }
0xc2: {  	[hbm4b:s16+s2] =	stream.linear.scatter [tilespmem:s17], [sflag:$0x2], $0x100, $0x38;
	[tilespmem:$0x7900] =	vst v63  }
0xc3: {  	s14 =	sadd.s32 $0x10, s14;
	s15 =	sadd.s32 $0x201E0, s15;
	s16 =	spop (v2sf)  }
0xc4: {  	[hbm4b:s15+s2] =	stream.linear.scatter [tilespmem:s16], [sflag:$0x2], $0x100, $0x38;
	[tilespmem:$0x7900] =	vst v63  }
0xc5: {  	s13 =	simm.s32 $0x1  }
0xc6: {  	s14 =	simm.s32 $0x6100;
	s15 =	simm.s32 $0x6180;
	s16 =	smov.u32 s6  }
.LBB2_6:
0xc7: {  	_ =	swait.ge [sflag:s10], $0x8000  }
0xc8: {  	[sflag:s10] =	ssyncset.done $0x0  }
0xc9: {  	[sflag:s10] =	ssyncadd.s32 $0xFFFF8000  }
0xca: {  	v0 =	vld [tilespmem:s14+$0x0];
	_ =	sdelay $0x4  }
0xcb: {  	v0 =	vshll.u32 v0, $0xA  }
0xcc: {  	v0 =	vshra.s32 v0, $0x2  }
0xcd: {  	(v2sf) =	vpush v0, $0x0;
	_ =	sdelay $0x1  }
0xce: {  	(v2sf) =	vpush v0, $0x1;
	_ =	sdelay $0x1  }
0xcf: {  	(v2sf) =	vpush v0, $0x2;
	_ =	sdelay $0x1  }
0xd0: {  	(v2sf) =	vpush v0, $0x3;
	_ =	sdelay $0x1  }
0xd1: {  	(v2sf) =	vpush v0, $0x4;
	_ =	sdelay $0x1  }
0xd2: {  	(v2sf) =	vpush v0, $0x5;
	_ =	sdelay $0x1  }
0xd3: {  	(v2sf) =	vpush v0, $0x6;
	_ =	sdelay $0x1  }
0xd4: {  	s18 =	sadd.s32 $0x0, s16;
	(v2sf) =	vpush v0, $0x7  }
0xd5: {  	s17 =	sadd.s32 $0x40000, s18;
	s19 =	spop (v2sf)  }
0xd6: {  	(v2sf) =	vpush v0, $0x8;
	[hbm4b:s17+s2] =	stream.linear.scatter [tilespmem:s19], [sflag:$0x1], $0x100, $0x38;
	[tilespmem:$0x7900] =	vst v63  }
0xd7: {  	s28 =	sadd.s32 $0x40020, s18;
	s29 =	spop (v2sf);
	(v2sf) =	vpush v0, $0x9  }
0xd8: {  	[hbm4b:s28+s2] =	stream.linear.scatter [tilespmem:s29], [sflag:$0x1], $0x100, $0x38;
	[tilespmem:$0x7900] =	vst v63  }
0xd9: {  	s30 =	sadd.s32 $0x40040, s18;
	s31 =	spop (v2sf);
	(v2sf) =	vpush v0, $0xA  }
0xda: {  	[hbm4b:s30+s2] =	stream.linear.scatter [tilespmem:s31], [sflag:$0x1], $0x100, $0x38;
	[tilespmem:$0x7900] =	vst v63  }
0xdb: {  	s19 =	sadd.s32 $0x40060, s18;
	s20 =	spop (v2sf);
	(v2sf) =	vpush v0, $0xB  }
0xdc: {  	[hbm4b:s19+s2] =	stream.linear.scatter [tilespmem:s20], [sflag:$0x1], $0x100, $0x38;
	[tilespmem:$0x7900] =	vst v63  }
0xdd: {  	s21 =	sadd.s32 $0x40080, s18;
	s22 =	spop (v2sf);
	(v2sf) =	vpush v0, $0xC  }
0xde: {  	[hbm4b:s21+s2] =	stream.linear.scatter [tilespmem:s22], [sflag:$0x1], $0x100, $0x38;
	[tilespmem:$0x7900] =	vst v63  }
0xdf: {  	s23 =	sadd.s32 $0x400A0, s18;
	s24 =	spop (v2sf);
	(v2sf) =	vpush v0, $0xD  }
0xe0: {  	[hbm4b:s23+s2] =	stream.linear.scatter [tilespmem:s24], [sflag:$0x1], $0x100, $0x38;
	[tilespmem:$0x7900] =	vst v63  }
0xe1: {  	s25 =	sadd.s32 $0x400C0, s18;
	s26 =	spop (v2sf);
	(v2sf) =	vpush v0, $0xE  }
0xe2: {  	[hbm4b:s25+s2] =	stream.linear.scatter [tilespmem:s26], [sflag:$0x1], $0x100, $0x38;
	[tilespmem:$0x7900] =	vst v63  }
0xe3: {  	s28 =	sadd.s32 $0x400E0, s18;
	s29 =	spop (v2sf);
	(v2sf) =	vpush v0, $0xF  }
0xe4: {  	[hbm4b:s28+s2] =	stream.linear.scatter [tilespmem:s29], [sflag:$0x1], $0x100, $0x38;
	[tilespmem:$0x7900] =	vst v63  }
0xe5: {  	s31 =	spop (v2sf)  }
0xe6: {  	s30 =	sadd.s32 $0x40100, s18;
	s20 =	spop (v2sf)  }
0xe7: {  	[hbm4b:s30+s2] =	stream.linear.scatter [tilespmem:s31], [sflag:$0x1], $0x100, $0x38;
	[tilespmem:$0x7900] =	vst v63  }
0xe8: {  	s19 =	sadd.s32 $0x40120, s18;
	s22 =	spop (v2sf)  }
0xe9: {  	[hbm4b:s19+s2] =	stream.linear.scatter [tilespmem:s20], [sflag:$0x1], $0x100, $0x38;
	[tilespmem:$0x7900] =	vst v63  }
0xea: {  	s21 =	sadd.s32 $0x40140, s18;
	s24 =	spop (v2sf)  }
0xeb: {  	[hbm4b:s21+s2] =	stream.linear.scatter [tilespmem:s22], [sflag:$0x1], $0x100, $0x38;
	[tilespmem:$0x7900] =	vst v63  }
0xec: {  	s23 =	sadd.s32 $0x40160, s18;
	s26 =	spop (v2sf)  }
0xed: {  	[hbm4b:s23+s2] =	stream.linear.scatter [tilespmem:s24], [sflag:$0x1], $0x100, $0x38;
	[tilespmem:$0x7900] =	vst v63  }
0xee: {  	s17 =	simm.s32 $0x200;
	s25 =	sadd.s32 $0x40180, s18;
	s29 =	spop (v2sf)  }
0xef: {  	[hbm4b:s25+s2] =	stream.linear.scatter [tilespmem:s26], [sflag:$0x1], $0x100, $0x38;
	[tilespmem:$0x7900] =	vst v63  }
0xf0: {  	s28 =	sadd.s32 $0x401A0, s18;
	s30 =	sadd.s32 $0x401C0, s18;
	s31 =	spop (v2sf)  }
0xf1: {  	[hbm4b:s28+s2] =	stream.linear.scatter [tilespmem:s29], [sflag:$0x1], $0x100, $0x38;
	[tilespmem:$0x7900] =	vst v63  }
0xf2: {  	s19 =	sadd.s32 $0x401E0, s18;
	s18 =	sadd.s32 $0x10, s14;
	s20 =	spop (v2sf)  }
0xf3: {  	[hbm4b:s30+s2] =	stream.linear.scatter [tilespmem:s31], [sflag:$0x1], $0x100, $0x38;
	[tilespmem:$0x7900] =	vst v63  }
.LBB2_7:
0xf4: {  	[hbm4b:s19+s2] =	stream.linear.scatter [tilespmem:s20], [sflag:$0x1], $0x100, $0x38;
	[tilespmem:$0x7900] =	vst v63  }
0xf5: {  	p0 =	sne.s32 s17, $0xE00;
	s19 =	smov.u32 s17;
	s17 =	sadd.s32 $0x200, s17;
	v0 =	vld [tilespmem:s18+$0x0]  }
0xf6: {  	_ =	sdelay $0x3  }
0xf7: {  	v0 =	vshll.u32 v0, $0xA  }
0xf8: {  	v0 =	vshra.s32 v0, $0x2  }
0xf9: {  	(v2sf) =	vpush v0, $0x0;
	_ =	sdelay $0x1  }
0xfa: {  	(v2sf) =	vpush v0, $0x1;
	_ =	sdelay $0x1  }
0xfb: {  	(v2sf) =	vpush v0, $0x2;
	_ =	sdelay $0x1  }
0xfc: {  	(v2sf) =	vpush v0, $0x3;
	_ =	sdelay $0x1  }
0xfd: {  	(v2sf) =	vpush v0, $0x4;
	_ =	sdelay $0x1  }
0xfe: {  	(v2sf) =	vpush v0, $0x5;
	_ =	sdelay $0x1  }
0xff: {  	(v2sf) =	vpush v0, $0x6;
	_ =	sdelay $0x1  }
0x100: {  	s19 =	sadd.s32 s19, s16;
	(v2sf) =	vpush v0, $0x7  }
0x101: {  	s20 =	sadd.s32 $0x40000, s19;
	s21 =	spop (v2sf)  }
0x102: {  	[hbm4b:s20+s2] =	stream.linear.scatter [tilespmem:s21], [sflag:$0x1], $0x100, $0x38;
	(v2sf) =	vpush v0, $0x8;
	[tilespmem:$0x7900] =	vst v63  }
0x103: {  	s20 =	sadd.s32 $0x40020, s19;
	s21 =	spop (v2sf)  }
0x104: {  	[hbm4b:s20+s2] =	stream.linear.scatter [tilespmem:s21], [sflag:$0x1], $0x100, $0x38;
	(v2sf) =	vpush v0, $0x9;
	[tilespmem:$0x7900] =	vst v63  }
0x105: {  	s20 =	sadd.s32 $0x40040, s19;
	s21 =	spop (v2sf)  }
0x106: {  	[hbm4b:s20+s2] =	stream.linear.scatter [tilespmem:s21], [sflag:$0x1], $0x100, $0x38;
	(v2sf) =	vpush v0, $0xA;
	[tilespmem:$0x7900] =	vst v63  }
0x107: {  	s20 =	sadd.s32 $0x40060, s19;
	s21 =	spop (v2sf)  }
0x108: {  	[hbm4b:s20+s2] =	stream.linear.scatter [tilespmem:s21], [sflag:$0x1], $0x100, $0x38;
	(v2sf) =	vpush v0, $0xB;
	[tilespmem:$0x7900] =	vst v63  }
0x109: {  	s20 =	sadd.s32 $0x40080, s19;
	s21 =	spop (v2sf)  }
0x10a: {  	[hbm4b:s20+s2] =	stream.linear.scatter [tilespmem:s21], [sflag:$0x1], $0x100, $0x38;
	(v2sf) =	vpush v0, $0xC;
	[tilespmem:$0x7900] =	vst v63  }
0x10b: {  	s20 =	sadd.s32 $0x400A0, s19;
	s21 =	spop (v2sf)  }
0x10c: {  	[hbm4b:s20+s2] =	stream.linear.scatter [tilespmem:s21], [sflag:$0x1], $0x100, $0x38;
	(v2sf) =	vpush v0, $0xD;
	[tilespmem:$0x7900] =	vst v63  }
0x10d: {  	s20 =	sadd.s32 $0x400C0, s19;
	s21 =	spop (v2sf)  }
0x10e: {  	[hbm4b:s20+s2] =	stream.linear.scatter [tilespmem:s21], [sflag:$0x1], $0x100, $0x38;
	(v2sf) =	vpush v0, $0xE;
	[tilespmem:$0x7900] =	vst v63  }
0x10f: {  	s20 =	sadd.s32 $0x400E0, s19;
	s21 =	spop (v2sf)  }
0x110: {  	[hbm4b:s20+s2] =	stream.linear.scatter [tilespmem:s21], [sflag:$0x1], $0x100, $0x38;
	(v2sf) =	vpush v0, $0xF;
	[tilespmem:$0x7900] =	vst v63  }
0x111: {  	s20 =	sadd.s32 $0x40100, s19;
	s21 =	spop (v2sf)  }
0x112: {  	[hbm4b:s20+s2] =	stream.linear.scatter [tilespmem:s21], [sflag:$0x1], $0x100, $0x38;
	[tilespmem:$0x7900] =	vst v63  }
0x113: {  	s20 =	sadd.s32 $0x40120, s19;
	s21 =	spop (v2sf)  }
0x114: {  	[hbm4b:s20+s2] =	stream.linear.scatter [tilespmem:s21], [sflag:$0x1], $0x100, $0x38;
	[tilespmem:$0x7900] =	vst v63  }
0x115: {  	s20 =	sadd.s32 $0x40140, s19;
	s21 =	spop (v2sf)  }
0x116: {  	[hbm4b:s20+s2] =	stream.linear.scatter [tilespmem:s21], [sflag:$0x1], $0x100, $0x38;
	[tilespmem:$0x7900] =	vst v63  }
0x117: {  	s20 =	sadd.s32 $0x40160, s19;
	s21 =	spop (v2sf)  }
0x118: {  	[hbm4b:s20+s2] =	stream.linear.scatter [tilespmem:s21], [sflag:$0x1], $0x100, $0x38;
	[tilespmem:$0x7900] =	vst v63  }
0x119: {  	s20 =	sadd.s32 $0x40180, s19;
	s21 =	spop (v2sf)  }
0x11a: {  	[hbm4b:s20+s2] =	stream.linear.scatter [tilespmem:s21], [sflag:$0x1], $0x100, $0x38;
	[tilespmem:$0x7900] =	vst v63  }
.Ltmp2:
0x11b: {  	s20 =	sadd.s32 $0x401A0, s19;
	s21 =	spop (v2sf);
	(pc) =	sbr.rel @p0 .LBB2_7-.Ltmp2, $4  }
0x11c: {  	[hbm4b:s20+s2] =	stream.linear.scatter [tilespmem:s21], [sflag:$0x1], $0x100, $0x38;
	[tilespmem:$0x7900] =	vst v63  }
0x11d: {  	s20 =	sadd.s32 $0x401C0, s19;
	s21 =	spop (v2sf)  }
0x11e: {  	[hbm4b:s20+s2] =	stream.linear.scatter [tilespmem:s21], [sflag:$0x1], $0x100, $0x38;
	[tilespmem:$0x7900] =	vst v63  }
0x11f: {  	s18 =	sadd.s32 $0x10, s18;
	s19 =	sadd.s32 $0x401E0, s19;
	s20 =	spop (v2sf)  }
0x120: {  	[hbm4b:s19+s2] =	stream.linear.scatter [tilespmem:s20], [sflag:$0x1], $0x100, $0x38;
	[tilespmem:$0x7900] =	vst v63  }
0x121: {  	_ =	swait.ge [sflag:s11], $0x8000  }
0x122: {  	[sflag:s11] =	ssyncset.done $0x0  }
0x123: {  	[sflag:s11] =	ssyncadd.s32 $0xFFFF8000  }
0x124: {  	v0 =	vld [tilespmem:s15+$0x0];
	_ =	sdelay $0x4  }
0x125: {  	v0 =	vshll.u32 v0, $0xA  }
0x126: {  	v0 =	vshra.s32 v0, $0x2  }
0x127: {  	(v2sf) =	vpush v0, $0x0;
	_ =	sdelay $0x1  }
0x128: {  	(v2sf) =	vpush v0, $0x1;
	_ =	sdelay $0x1  }
0x129: {  	(v2sf) =	vpush v0, $0x2;
	_ =	sdelay $0x1  }
0x12a: {  	(v2sf) =	vpush v0, $0x3;
	_ =	sdelay $0x1  }
0x12b: {  	(v2sf) =	vpush v0, $0x4;
	_ =	sdelay $0x1  }
0x12c: {  	(v2sf) =	vpush v0, $0x5;
	_ =	sdelay $0x1  }
0x12d: {  	(v2sf) =	vpush v0, $0x6;
	_ =	sdelay $0x1  }
0x12e: {  	s18 =	sadd.s32 $0x0, s16;
	(v2sf) =	vpush v0, $0x7  }
0x12f: {  	s17 =	sadd.s32 $0x60000, s18;
	s26 =	spop (v2sf)  }
0x130: {  	(v2sf) =	vpush v0, $0x8;
	[hbm4b:s17+s2] =	stream.linear.scatter [tilespmem:s26], [sflag:$0x2], $0x100, $0x38;
	[tilespmem:$0x7900] =	vst v63  }
0x131: {  	s28 =	sadd.s32 $0x60020, s18;
	s29 =	spop (v2sf);
	(v2sf) =	vpush v0, $0x9  }
0x132: {  	[hbm4b:s28+s2] =	stream.linear.scatter [tilespmem:s29], [sflag:$0x2], $0x100, $0x38;
	[tilespmem:$0x7900] =	vst v63  }
0x133: {  	s30 =	sadd.s32 $0x60040, s18;
	s31 =	spop (v2sf);
	(v2sf) =	vpush v0, $0xA  }
0x134: {  	[hbm4b:s30+s2] =	stream.linear.scatter [tilespmem:s31], [sflag:$0x2], $0x100, $0x38;
	[tilespmem:$0x7900] =	vst v63  }
0x135: {  	s19 =	sadd.s32 $0x60060, s18;
	s20 =	spop (v2sf);
	(v2sf) =	vpush v0, $0xB  }
0x136: {  	[hbm4b:s19+s2] =	stream.linear.scatter [tilespmem:s20], [sflag:$0x2], $0x100, $0x38;
	[tilespmem:$0x7900] =	vst v63  }
0x137: {  	s21 =	sadd.s32 $0x60080, s18;
	s22 =	spop (v2sf);
	(v2sf) =	vpush v0, $0xC  }
0x138: {  	[hbm4b:s21+s2] =	stream.linear.scatter [tilespmem:s22], [sflag:$0x2], $0x100, $0x38;
	[tilespmem:$0x7900] =	vst v63  }
0x139: {  	s23 =	sadd.s32 $0x600A0, s18;
	s24 =	spop (v2sf);
	(v2sf) =	vpush v0, $0xD  }
0x13a: {  	[hbm4b:s23+s2] =	stream.linear.scatter [tilespmem:s24], [sflag:$0x2], $0x100, $0x38;
	[tilespmem:$0x7900] =	vst v63  }
0x13b: {  	s25 =	sadd.s32 $0x600C0, s18;
	s26 =	spop (v2sf);
	(v2sf) =	vpush v0, $0xE  }
0x13c: {  	[hbm4b:s25+s2] =	stream.linear.scatter [tilespmem:s26], [sflag:$0x2], $0x100, $0x38;
	[tilespmem:$0x7900] =	vst v63  }
0x13d: {  	s28 =	sadd.s32 $0x600E0, s18;
	s29 =	spop (v2sf);
	(v2sf) =	vpush v0, $0xF  }
0x13e: {  	[hbm4b:s28+s2] =	stream.linear.scatter [tilespmem:s29], [sflag:$0x2], $0x100, $0x38;
	[tilespmem:$0x7900] =	vst v63  }
0x13f: {  	s31 =	spop (v2sf)  }
0x140: {  	s30 =	sadd.s32 $0x60100, s18;
	s20 =	spop (v2sf)  }
0x141: {  	[hbm4b:s30+s2] =	stream.linear.scatter [tilespmem:s31], [sflag:$0x2], $0x100, $0x38;
	[tilespmem:$0x7900] =	vst v63  }
0x142: {  	s19 =	sadd.s32 $0x60120, s18;
	s22 =	spop (v2sf)  }
0x143: {  	[hbm4b:s19+s2] =	stream.linear.scatter [tilespmem:s20], [sflag:$0x2], $0x100, $0x38;
	[tilespmem:$0x7900] =	vst v63  }
0x144: {  	s21 =	sadd.s32 $0x60140, s18;
	s24 =	spop (v2sf)  }
0x145: {  	[hbm4b:s21+s2] =	stream.linear.scatter [tilespmem:s22], [sflag:$0x2], $0x100, $0x38;
	[tilespmem:$0x7900] =	vst v63  }
0x146: {  	s23 =	sadd.s32 $0x60160, s18;
	s26 =	spop (v2sf)  }
0x147: {  	[hbm4b:s23+s2] =	stream.linear.scatter [tilespmem:s24], [sflag:$0x2], $0x100, $0x38;
	[tilespmem:$0x7900] =	vst v63  }
0x148: {  	s17 =	simm.s32 $0x200;
	s25 =	sadd.s32 $0x60180, s18;
	s29 =	spop (v2sf)  }
0x149: {  	[hbm4b:s25+s2] =	stream.linear.scatter [tilespmem:s26], [sflag:$0x2], $0x100, $0x38;
	[tilespmem:$0x7900] =	vst v63  }
0x14a: {  	s28 =	sadd.s32 $0x601A0, s18;
	s30 =	sadd.s32 $0x601C0, s18;
	s31 =	spop (v2sf)  }
0x14b: {  	[hbm4b:s28+s2] =	stream.linear.scatter [tilespmem:s29], [sflag:$0x2], $0x100, $0x38;
	[tilespmem:$0x7900] =	vst v63  }
0x14c: {  	s19 =	sadd.s32 $0x601E0, s18;
	s18 =	sadd.s32 $0x10, s15;
	s20 =	spop (v2sf)  }
0x14d: {  	[hbm4b:s30+s2] =	stream.linear.scatter [tilespmem:s31], [sflag:$0x2], $0x100, $0x38;
	[tilespmem:$0x7900] =	vst v63  }
.LBB2_9:
0x14e: {  	[hbm4b:s19+s2] =	stream.linear.scatter [tilespmem:s20], [sflag:$0x2], $0x100, $0x38;
	[tilespmem:$0x7900] =	vst v63  }
0x14f: {  	p0 =	sne.s32 s17, $0xE00;
	s19 =	smov.u32 s17;
	s17 =	sadd.s32 $0x200, s17;
	v0 =	vld [tilespmem:s18+$0x0]  }
0x150: {  	_ =	sdelay $0x3  }
0x151: {  	v0 =	vshll.u32 v0, $0xA  }
0x152: {  	v0 =	vshra.s32 v0, $0x2  }
0x153: {  	(v2sf) =	vpush v0, $0x0;
	_ =	sdelay $0x1  }
0x154: {  	(v2sf) =	vpush v0, $0x1;
	_ =	sdelay $0x1  }
0x155: {  	(v2sf) =	vpush v0, $0x2;
	_ =	sdelay $0x1  }
0x156: {  	(v2sf) =	vpush v0, $0x3;
	_ =	sdelay $0x1  }
0x157: {  	(v2sf) =	vpush v0, $0x4;
	_ =	sdelay $0x1  }
0x158: {  	(v2sf) =	vpush v0, $0x5;
	_ =	sdelay $0x1  }
0x159: {  	(v2sf) =	vpush v0, $0x6;
	_ =	sdelay $0x1  }
0x15a: {  	s19 =	sadd.s32 s19, s16;
	(v2sf) =	vpush v0, $0x7  }
0x15b: {  	s20 =	sadd.s32 $0x60000, s19;
	s21 =	spop (v2sf)  }
0x15c: {  	[hbm4b:s20+s2] =	stream.linear.scatter [tilespmem:s21], [sflag:$0x2], $0x100, $0x38;
	(v2sf) =	vpush v0, $0x8;
	[tilespmem:$0x7900] =	vst v63  }
0x15d: {  	s20 =	sadd.s32 $0x60020, s19;
	s21 =	spop (v2sf)  }
0x15e: {  	[hbm4b:s20+s2] =	stream.linear.scatter [tilespmem:s21], [sflag:$0x2], $0x100, $0x38;
	(v2sf) =	vpush v0, $0x9;
	[tilespmem:$0x7900] =	vst v63  }
0x15f: {  	s20 =	sadd.s32 $0x60040, s19;
	s21 =	spop (v2sf)  }
0x160: {  	[hbm4b:s20+s2] =	stream.linear.scatter [tilespmem:s21], [sflag:$0x2], $0x100, $0x38;
	(v2sf) =	vpush v0, $0xA;
	[tilespmem:$0x7900] =	vst v63  }
0x161: {  	s20 =	sadd.s32 $0x60060, s19;
	s21 =	spop (v2sf)  }
0x162: {  	[hbm4b:s20+s2] =	stream.linear.scatter [tilespmem:s21], [sflag:$0x2], $0x100, $0x38;
	(v2sf) =	vpush v0, $0xB;
	[tilespmem:$0x7900] =	vst v63  }
0x163: {  	s20 =	sadd.s32 $0x60080, s19;
	s21 =	spop (v2sf)  }
0x164: {  	[hbm4b:s20+s2] =	stream.linear.scatter [tilespmem:s21], [sflag:$0x2], $0x100, $0x38;
	(v2sf) =	vpush v0, $0xC;
	[tilespmem:$0x7900] =	vst v63  }
0x165: {  	s20 =	sadd.s32 $0x600A0, s19;
	s21 =	spop (v2sf)  }
0x166: {  	[hbm4b:s20+s2] =	stream.linear.scatter [tilespmem:s21], [sflag:$0x2], $0x100, $0x38;
	(v2sf) =	vpush v0, $0xD;
	[tilespmem:$0x7900] =	vst v63  }
0x167: {  	s20 =	sadd.s32 $0x600C0, s19;
	s21 =	spop (v2sf)  }
0x168: {  	[hbm4b:s20+s2] =	stream.linear.scatter [tilespmem:s21], [sflag:$0x2], $0x100, $0x38;
	(v2sf) =	vpush v0, $0xE;
	[tilespmem:$0x7900] =	vst v63  }
0x169: {  	s20 =	sadd.s32 $0x600E0, s19;
	s21 =	spop (v2sf)  }
0x16a: {  	[hbm4b:s20+s2] =	stream.linear.scatter [tilespmem:s21], [sflag:$0x2], $0x100, $0x38;
	(v2sf) =	vpush v0, $0xF;
	[tilespmem:$0x7900] =	vst v63  }
0x16b: {  	s20 =	sadd.s32 $0x60100, s19;
	s21 =	spop (v2sf)  }
0x16c: {  	[hbm4b:s20+s2] =	stream.linear.scatter [tilespmem:s21], [sflag:$0x2], $0x100, $0x38;
	[tilespmem:$0x7900] =	vst v63  }
0x16d: {  	s20 =	sadd.s32 $0x60120, s19;
	s21 =	spop (v2sf)  }
0x16e: {  	[hbm4b:s20+s2] =	stream.linear.scatter [tilespmem:s21], [sflag:$0x2], $0x100, $0x38;
	[tilespmem:$0x7900] =	vst v63  }
0x16f: {  	s20 =	sadd.s32 $0x60140, s19;
	s21 =	spop (v2sf)  }
0x170: {  	[hbm4b:s20+s2] =	stream.linear.scatter [tilespmem:s21], [sflag:$0x2], $0x100, $0x38;
	[tilespmem:$0x7900] =	vst v63  }
0x171: {  	s20 =	sadd.s32 $0x60160, s19;
	s21 =	spop (v2sf)  }
0x172: {  	[hbm4b:s20+s2] =	stream.linear.scatter [tilespmem:s21], [sflag:$0x2], $0x100, $0x38;
	[tilespmem:$0x7900] =	vst v63  }
0x173: {  	s20 =	sadd.s32 $0x60180, s19;
	s21 =	spop (v2sf)  }
0x174: {  	[hbm4b:s20+s2] =	stream.linear.scatter [tilespmem:s21], [sflag:$0x2], $0x100, $0x38;
	[tilespmem:$0x7900] =	vst v63  }
.Ltmp3:
0x175: {  	s20 =	sadd.s32 $0x601A0, s19;
	s21 =	spop (v2sf);
	(pc) =	sbr.rel @p0 .LBB2_9-.Ltmp3, $4  }
0x176: {  	[hbm4b:s20+s2] =	stream.linear.scatter [tilespmem:s21], [sflag:$0x2], $0x100, $0x38;
	[tilespmem:$0x7900] =	vst v63  }
0x177: {  	s20 =	sadd.s32 $0x601C0, s19;
	s21 =	spop (v2sf)  }
0x178: {  	[hbm4b:s20+s2] =	stream.linear.scatter [tilespmem:s21], [sflag:$0x2], $0x100, $0x38;
	[tilespmem:$0x7900] =	vst v63  }
0x179: {  	s18 =	sadd.s32 $0x10, s18;
	s19 =	sadd.s32 $0x601E0, s19;
	s20 =	spop (v2sf)  }
0x17a: {  	s13 =	sadd.s32 $0x1, s13  }
0x17b: {  	p0 =	sne.s32 s13, $0x19  }
.Ltmp4:
0x17c: {  	_ = 	snop;
	(pc) =	sbr.rel @p0 .LBB2_6-.Ltmp4, $3  }
0x17d: {  	_ =	sdelay $0x1  }
0x17e: {  	[hbm4b:s19+s2] =	stream.linear.scatter [tilespmem:s20], [sflag:$0x2], $0x100, $0x38;
	[tilespmem:$0x7900] =	vst v63  }
0x17f: {  	s16 =	sadd.s32 $0x40000, s16;
	s14 =	sadd.s32 $0x100, s14;
	s15 =	sadd.s32 $0x100, s15  }
0x180: {  	s12 =	sadd.s32 $0x1, s12  }
0x181: {  	_ =	swait.ge [sflag:s10], $0x8000;
	p0 =	sne.s32 s12, s5  }
.Ltmp5:
0x182: {  	[sflag:s10] =	ssyncset.done $0x0;
	(pc) =	sbr.rel @p0 .LBB2_1-.Ltmp5, $4  }
0x183: {  	[sflag:s10] =	ssyncadd.s32 $0xFFFF8000  }
0x184: {  	_ =	swait.ge [sflag:s11], $0x8000  }
0x185: {  	[sflag:s11] =	ssyncset.done $0x0  }
0x186: {  	[sflag:s11] =	ssyncadd.s32 $0xFFFF8000  }
0x187: {  	_ =	sfence.sel $0x180000  }
0x188: {  	[bflag:$0x0] =	sbarrier.arrive $0xFFFF  }
0x189: {  	p0 =	sne.s32 s1, $0x0;
	_ =	strace $0x90000047  }
0x18a: {  	s0 =	sadd.s32 @!p0 $0x100000, s0;
	[bflag:$0x2] =	sbarrier.arrive $0xFFFF  }
0x18b: {  	[sflag:s0] =	ssyncadd.tile.s32 @!p0 $0x1;
	_ =	shalt  }
.Lfunc_end2:
_tile_overlayer_lowered:
.L_overlay_start_2:
0x18c: {  	(tag) =	ssettag $0x2  }
0x18d: {  	s0 =	rddreg [dreg:$0x0];
	s2 =	stileid.u32  }
0x18e: {  	s1 =	rddreg [dreg:$0x1];
	p0 =	sne.s32 s2, $0x0  }
0x18f: {  	s3 =	rddreg [dreg:$0x2];
	[bflag:$0x3] =	sbarrier.arrive $0xFFFF;
	s2 =	simm.s32 @!p0 $0x1C03  }
0x190: {  	[timem:s3], [sflag:s2] =	dma.local @!p0 [hbm:s0], s1  }
0x191: {  	s0 =	simm.s32 @!p0 $0x3  }
0x192: {  	_ =	swait.ge @!p0 [sflag:s0], s1  }
0x193: {  	s1 =	ssub.s32 @!p0 $0x0, s1;
	[sflag:s0] =	ssyncset.done @!p0 $0x0  }
0x194: {  	[sflag:s0] =	ssyncadd.s32 @!p0 s1  }
0x195: {  	[bflag:$0x3] =	sbarrier.arrive $0xFFFF  }
0x196: {  	_ =	shalt  }

// kernel: sparse-core-data-format-call.cloned.1.call-start
scs
called_computation_lowered:
.L_overlay_start_0:
0x0: {  	s2 =	sld [smem:$0x3FD9]  }
0x1: {  	s3 =	sld [smem:$0x3FFE];
	_ =	sdelay $0x1  }
0x2: {  	s1 =	srdreg.scid  }
0x3: {  	s0 =	sand.u32 $0x1, s1  }
0x4: {  	s18 =	sshll.u32 s0, $0xA;
	s2 =	sadd.s32 s3, s2  }
0x5: {  	s2 =	sadd.s32 s2, s18  }
0x6: {  	[smem:$0x3FC6] =	sst s2  }
0x7: {  	_ = 	snop  }
0x8: {  	s2 =	sld [smem:$0x3FD0];
	(tm) =	ssettm $0x1  }
0x9: {  	s19 =	sld [smem:$0x3FFB];
	_ =	sdelay $0x3  }
0xa: {  	_ =	strace s19  }
0xb: {  	s3 =	sld [smem:$0x3FFC];
	_ =	sdelay $0x3  }
0xc: {  	_ =	strace s3  }
0xd: {  	s3 =	sld [smem:$0x3FFD];
	_ =	sdelay $0x3  }
0xe: {  	_ =	strace s3  }
0xf: {  	_ =	strace $0x8FFFFFFF  }
0x10: {  	s20 =	sld [smem:$0x3FDB];
	_ =	sdelay $0x1  }
0x11: {  	s4 =	simm.s32 $_scs_section_size  }
0x12: {  	s5 =	simm.s32 $_size__tile_overlayer_lowered;
	s6 =	simm.s32 $_tile_overlayer_lowered  }
0x13: {  	s23 =	simm.s32 $0x1BFF;
	s22 =	sshll.u32 s6, $0x1;
	s3 =	sadd.s32 s4, s20  }
0x14: {  	s7 =	simm.s32 $0x0;
	s21 =	sshll.u32 s5, $0x1;
	s5 =	sadd.s32 s22, s3  }
0x15: {  	[timem:s7], [sflag:s23] =	dma.local [hbm:s5], s21  }
0x16: {  	_ =	swait.ge [sflag:s23], s21  }
0x17: {  	s4 =	ssub.s32 $0x0, s21;
	[sflag:s23] =	ssyncset.done $0x0  }
0x18: {  	[sflag:s23] =	ssyncadd.s32 s4;
	_ =	sdelay $0x1  }
0x19: {  	s24 =	simm.s32 $0x1B8B  }
0x1a: {  	_ =	swait.ge [sflag:s24], $0x1  }
0x1b: {  	[sflag:s24] =	ssyncset.done $0x0  }
0x1c: {  	s26 =	simm.s32 $0x1B8E;
	s25 =	sld [smem:$0x3FFE];
	[sflag:s24] =	ssyncadd.s32 $0xFFFFFFFF  }
0x1d: {  	s27 =	simm.s32 $execute0_lowered;
	[smem:$0x3FD2] =	sst s26  }
0x1e: {  	s5 =	sshll.u32 s27, $0x1;
	_ =	strace $0x80000049;
	[dreg:$0x1] =	wrdreg $0xFFFFFFFF  }
0x1f: {  	s28 =	simm.s32 $_size_execute0_lowered;
	s3 =	sadd.s32 s3, s5;
	[dreg:$0x0] =	wrdreg $0x0  }
0x20: {  	s5 =	sshll.u32 s28, $0x1;
	[dreg:$0x2] =	wrdreg s3  }
0x21: {  	[dreg:$0x3] =	wrdreg s5  }
0x22: {  	[dreg:$0x4] =	wrdreg $0xC0  }
0x23: {  	_ =	task [dreg:s7], $0x5FFFF  }
0x24: {  	[dreg:$0x1] =	wrdreg $0xFFFFFFFF  }
0x25: {  	[dreg:$0x0] =	wrdreg $0x60  }
0x26: {  	[dreg:$0x2] =	wrdreg s25  }
0x27: {  	[dreg:$0x3] =	wrdreg s2  }
0x28: {  	[dreg:$0x4] =	wrdreg $0x9  }
0x29: {  	_ =	task.clear_ibuf [dreg:s7], $0x5FFFF;
	_ =	strace $0x90000049  }
0x2a: {  	s29 =	simm.s32 $0x9;
	_ =	strace $0x8000004B  }
0x2b: {  	_ =	swait.ge [sflag:s29], $0x1  }
0x2c: {  	[sflag:s29] =	ssyncadd.s32 $0xFFFFFFFF  }
0x2d: {  	_ =	strace $0x9000004B  }
0x2e: {  	_ =	sfence  }
0x2f: {  	s30 =	sld [smem:$0x0];
	_ =	sdelay $0x2  }
0x30: {  	s31 =	sshll.u32 s1, $0xD;
	s1 =	sshrl.u32 s1, $0x2  }
0x31: {  	s3 =	sand.u32 $0x4000, s31;
	s1 =	sadd.s32 s1, s30  }
0x32: {  	s0 =	sor.u32 s3, s0;
	s1 =	sshll.u32 s1, $0x11  }
0x33: {  	s0 =	sor.u32 s1, s0  }
0x34: {  	s0 =	sadd.s32 $0x8F2B, s0  }
0x35: {  	[sflag:s0] =	ssyncadd.remote.s32 $0x1  }
0x36: {  	_ =	sfence.sel $0xFFFF  }
0x37: {  	[dreg:$0x0] =	wrdreg $0xFFFFFFFF;
	(pc) =	sbr.abs _section_cstart, $3  }
0x38: {  	[dreg:$0x1] =	wrdreg $0xFFFFFFFF  }
0x39: {  	_ =	task.clear_ibuf [dreg:s7], $0x2FFFF;
	_ =	strace $0x9FFFFFFF  }
0x3a: {  	(tm) =	ssettm $0x7FFFFFFF  }
0x3b: {  	_ =	shalt  }
tec
execute0_lowered:
.L_overlay_start_1:
0x0: {  	(tag) =	ssettag $0x1  }
0x1: {  	s0 =	srdreg.scid  }
0x2: {  	s1 =	sshll.u32 s0, $0x4  }
0x3: {  	s6 =	rddreg [dreg:$0x0];
	s0 =	stileid.u32;
	s1 =	sand.u32 $0x10, s1  }
0x4: {  	s3 =	rddreg [dreg:$0x1];
	s1 =	sor.u32 s0, s1  }
0x5: {  	s5 =	simm.s32 $0x1;
	s31 =	simm.s32 $0x2;
	s2 =	sshll.u32 s1, $0x7  }
0x6: {  	s14 =	simm.s32 $0x0;
	s8 =	simm.s32 $0x800;
	s4 =	ssub.s32 $0x1000, s2  }
0x7: {  	s9 =	simm.s32 $0x0;
	s15 =	simm.s32 $0x0;
	s30 =	sand.u32 $0xF80, s4  }
0x8: {  	s16 =	simm.s32 $0x0;
	s10 =	simm.s32 $0x0;
	p0 =	sne.s32 s30, $0x0  }
.Ltmp0:
0x9: {  	s7 =	sshrl.u32 s4, $0xC;
	s5 =	simm.s32 @!p0 $0x0;
	(pc) =	sbr.rel .LBB1_1-.Ltmp0, $4  }
0xa: {  	s11 =	simm.s32 $0x0;
	s1 =	rddreg [dreg:$0x2];
	s5 =	sadd.s32 s5, s7  }
0xb: {  	_ =	strace $0x8000004A;
	s4 =	simm.s32 $0x1;
	s5 =	smul.u32 $0x64, s5  }
0xc: {  	s13 =	simm.s32 $0x0;
	s6 =	sadd.s32 $0x800, s6;
	[sflag:s4] =	ssyncpa.u1 $0x0  }
0xd: {  	s12 =	smov.u32 s2;
	[sflag:s31] =	ssyncpa.u1 $0x0;
	s7 =	sor.u32 $0x1, s5  }
.LBB1_4:
0xe: {  	_ =	sdelay $0x3  }
0xf: {  	[tilespmem:v0+s19+$0xFFFFFFD0 ss:$0x1] =	vst.idx.msk $0xffff, v6  }
0x10: {  	v56 =	vld.idx.msk [tilespmem:v1+s18+$0x0 ss:$0x1], $0xffff;
	[tilespmem:v0+s19+$0xFFFFFFE0 ss:$0x1] =	vst.idx.msk $0xffff, v4  }
0x11: {  	v57 =	vld.idx.msk [tilespmem:v1+s18+$0xFFFFFF90 ss:$0x1], $0xffff;
	[tilespmem:v0+s19+$0xFFFFFFF0 ss:$0x1] =	vst.idx.msk $0xffff, v2  }
0x12: {  	v58 =	vld.idx.msk [tilespmem:v1+s18+$0xFFFFFFA0 ss:$0x1], $0xffff;
	[tilespmem:v0+s19+$0x0 ss:$0x1] =	vst.idx.msk $0xffff, v3  }
0x13: {  	v59 =	vld.idx.msk [tilespmem:v1+s18+$0xFFFFFFB0 ss:$0x1], $0xffff;
	[tilespmem:v0+s19+$0x10 ss:$0x1] =	vst.idx.msk $0xffff, v5  }
0x14: {  	v60 =	vld.idx.msk [tilespmem:v1+s18+$0xFFFFFFC0 ss:$0x1], $0xffff;
	[tilespmem:v0+s19+$0x20 ss:$0x1] =	vst.idx.msk $0xffff, v7  }
0x15: {  	v61 =	vld.idx.msk [tilespmem:v1+s18+$0xFFFFFFD0 ss:$0x1], $0xffff;
	s27 =	sshll.u32 s16, $0x8;
	[tilespmem:v0+s18+$0x30 ss:$0x1] =	vst.idx.msk $0xffff, v56  }
0x16: {  	s20 =	sshll.u32 s14, $0x3;
	v62 =	vld.idx.msk [tilespmem:v1+s18+$0xFFFFFFE0 ss:$0x1], $0xffff;
	s28 =	sshll.u32 s16, $0x7;
	s30 =	sand.u32 $0x78, s14;
	[tilespmem:v0+s18+$0xFFFFFFC0 ss:$0x1] =	vst.idx.msk $0xffff, v57  }
0x17: {  	v63 =	vld.idx.msk [tilespmem:v1+s18+$0xFFFFFFF0 ss:$0x1], $0xffff;
	s15 =	sshll.u32 s15, $0x11;
	s19 =	sand.u32 $0xFF800, s27;
	s20 =	sand.u32 $0xFFC00, s20;
	[tilespmem:v0+s18+$0xFFFFFFD0 ss:$0x1] =	vst.idx.msk $0xffff, v58  }
0x18: {  	s29 =	sand.u32 $0x300, s28;
	s16 =	sand.u32 $0x80, s28;
	s19 =	sadd.s32 s19, s20;
	[tilespmem:v0+s18+$0xFFFFFFE0 ss:$0x1] =	vst.idx.msk $0xffff, v59  }
0x19: {  	s31 =	sand.u32 $0x7, s14;
	s16 =	sor.u32 s16, s30;
	s19 =	sor.u32 s29, s19;
	[tilespmem:v0+s18+$0xFFFFFFF0 ss:$0x1] =	vst.idx.msk $0xffff, v60  }
0x1a: {  	s15 =	sadd.s32 s3, s15;
	s16 =	sshrl.u32 s16, $0x3;
	s19 =	sshrl.u32 s19, $0x3;
	[tilespmem:v0+s18+$0x0 ss:$0x1] =	vst.idx.msk $0xffff, v61  }
0x1b: {  	s14 =	sshll.u32 s31, $0x12;
	s15 =	sadd.s32 s16, s15;
	[tilespmem:v0+s18+$0x10 ss:$0x1] =	vst.idx.msk $0xffff, v62;
	s19 =	sand.u32 $0x1FFE0, s19  }
0x1c: {  	s14 =	sor.u32 $0x400, s14;
	[tilespmem:v0+s18+$0x20 ss:$0x1] =	vst.idx.msk $0xffff, v63;
	s15 =	sadd.s32 s19, s15  }
0x1d: {  	[hbm4b:s15+s14] =	stream.strided.scatter [tilespmem:s17], [sflag:$0x2], $0x4000, s8, s14, $0x38;
	[tilespmem:$0x10000] =	vst v63  }
.LBB1_5:
0x1e: {  	s17 =	sadd.s32 $0x80, s10  }
0x1f: {  	s14 =	simm.s32 $0x1;
	p1 =	sgt.s32 s17, $0xFF  }
0x20: {  	s14 =	simm.s32 @!p1 $0x0  }
0x21: {  	s18 =	sadd.s32 s14, s11  }
0x22: {  	s20 =	smov.u32 s12;
	s14 =	sadd.s32 $0x1000, s12;
	p2 =	sgt.s32 s18, $0x31  }
0x23: {  	s20 =	smov.u32 @p2 s14  }
0x24: {  	p0 =	slt.u32 s13, $0x2;
	s17 =	simm.s32 @p1 $0x0;
	p1 =	sgt.s32 s20, $0xFFF  }
0x25: {  	s19 =	simm.s32 @!p0 $0x2;
	s20 =	smov.u32 @p1 s2;
	p1 =	sne.s32 s13, s7  }
.Ltmp1:
0x26: {  	_ =	swait.ge @!p0 [sflag:s19], $0x4000;
	(pc) =	sbr.rel @!p1 .LBB1_6-.Ltmp1, $4  }
0x27: {  	s15 =	smov.u32 s11;
	[sflag:s19] =	ssyncset.done @!p0 $0x0  }
0x28: {  	s16 =	smov.u32 s12;
	s9 =	sadd.s32 $0x4000, s9;
	[sflag:s19] =	ssyncadd.s32 @!p0 $0xFFFFC000  }
0x29: {  	s18 =	simm.s32 @p2 $0x0;
	s14 =	smov.u32 s10;
	s10 =	smov.u32 s17  }
0x2a: {  	s11 =	smov.u32 s18;
	s13 =	sadd.s32 $0x1, s13;
	s12 =	smov.u32 s20  }
.LBB1_1:
0x2b: {  	p0 =	sge.u32 s13, s5  }
0x2c: {  	s17 =	sshll.u32 @!p0 s11, $0x8;
	s18 =	sshll.u32 @!p0 s10, $0x3  }
0x2d: {  	s19 =	sshll.u32 @!p0 s11, $0x7;
	s17 =	sand.u32 @!p0 $0xFFFFF800, s17;
	s18 =	sand.u32 @!p0 $0xFFFFFC00, s18  }
0x2e: {  	s17 =	sadd.s32 @!p0 s17, s18;
	s18 =	sand.u32 @!p0 $0x300, s19  }
0x2f: {  	s17 =	sor.u32 @!p0 s18, s17  }
0x30: {  	s17 =	sshrl.u32 @!p0 s17, $0x8  }
0x31: {  	s31 =	sadd.s32 $0xFFFFFFFF, s13;
	s18 =	smulhi.u32 @!p0 $0x4924925, s17  }
0x32: {  	s20 =	sxor.u32 @!p0 $0xFFFFFFFF, s13;
	s21 =	sand.u32 @!p0 $0x78, s10;
	s22 =	smul.u32 @!p0 $0x700, s12  }
0x33: {  	s20 =	sshll.u32 @!p0 s20, $0xE;
	s19 =	sand.u32 @!p0 $0x80, s19;
	s18 =	smul.u32 @!p0 $0x38, s18  }
0x34: {  	s20 =	sand.u32 @!p0 $0x4000, s20;
	s19 =	sor.u32 @!p0 s21, s19;
	s21 =	sand.u32 @!p0 $0x7, s10  }
0x35: {  	s17 =	ssub.s32 @!p0 s17, s18;
	s18 =	sshrl.u32 @!p0 s19, $0x3;
	s19 =	sadd.s32 @!p0 s6, s22  }
0x36: {  	s17 =	sshll.u32 @!p0 s17, $0x5;
	s18 =	sadd.s32 @!p0 s18, s19;
	s19 =	sshll.u32 @!p0 s21, $0x12  }
0x37: {  	s17 =	sadd.s32 @!p0 s17, s18;
	s18 =	sor.u32 @!p0 $0x80, s19;
	s19 =	simm.s32 @!p0 $0x3800  }
0x38: {  	[tilespmem:s20], [sflag:$0x1] =	stream.strided.gather @!p0 [hbm4b:s17+s18], $0x4000, s19, s18, $0x38;
	[tilespmem:$0x10000] =	vst v63  }
0x39: {  	p0 =	sge.u32 s31, s5  }
.Ltmp2:
0x3a: {  	_ = 	snop;
	(pc) =	sbr.rel @p0 .LBB1_5-.Ltmp2, $1  }
0x3b: {  	_ =	sdelay $0x3  }
0x3c: {  	s17 =	sand.u32 $0x4000, s9  }
0x3d: {  	s18 =	sor.u32 $0x70, s17  }
0x3e: {  	v1 =	vmov s18;
	_ =	sdelay $0x1  }
0x3f: {  	_ =	swait.ge [sflag:s4], $0x4000  }
0x40: {  	[sflag:s4] =	ssyncset.done $0x0  }
0x41: {  	s19 =	simm.s32 $0x0;
	[sflag:s4] =	ssyncadd.s32 $0xFFFFC000  }
0x42: {  	s17 =	sor.u32 $0x8040, s17;
	v7 =	vld.idx.msk [tilespmem:v1+s19+$0x0 ss:$0x1], $0xffff  }
0x43: {  	v0 =	vmov s17;
	v8 =	vld.idx.msk [tilespmem:v1+s19+$0xFFFFFF90 ss:$0x1], $0xffff  }
0x44: {  	v6 =	vld.idx.msk [tilespmem:v1+s19+$0xFFFFFFA0 ss:$0x1], $0xffff  }
0x45: {  	v4 =	vld.idx.msk [tilespmem:v1+s19+$0xFFFFFFB0 ss:$0x1], $0xffff  }
0x46: {  	v2 =	vld.idx.msk [tilespmem:v1+s19+$0xFFFFFFC0 ss:$0x1], $0xffff  }
0x47: {  	s31 =	sshll.u32 s13, $0xE;
	v3 =	vld.idx.msk [tilespmem:v1+s19+$0xFFFFFFD0 ss:$0x1], $0xffff  }
0x48: {  	s17 =	sand.u32 $0x4000, s31;
	v5 =	vld.idx.msk [tilespmem:v1+s19+$0xFFFFFFE0 ss:$0x1], $0xffff;
	[tilespmem:v0+s19+$0x30 ss:$0x1] =	vst.idx.msk $0xffff, v7  }
0x49: {  	s20 =	simm.s32 $0x400;
	s18 =	simm.s32 $0x80;
	s17 =	sor.u32 $0x8000, s17;
	[tilespmem:v0+s19+$0xFFFFFFC0 ss:$0x1] =	vst.idx.msk $0xffff, v8;
	v7 =	vld.idx.msk [tilespmem:v1+s19+$0xFFFFFFF0 ss:$0x1], $0xffff  }
.LBB1_3:
0x4a: {  	p0 =	sne.s32 s20, $0xFE00;
	v8 =	vld.idx.msk [tilespmem:v1+s18+$0x0 ss:$0x1], $0xffff;
	[tilespmem:v0+s19+$0xFFFFFFD0 ss:$0x1] =	vst.idx.msk $0xffff, v6  }
0x4b: {  	v9 =	vld.idx.msk [tilespmem:v1+s18+$0xFFFFFF90 ss:$0x1], $0xffff;
	[tilespmem:v0+s19+$0xFFFFFFE0 ss:$0x1] =	vst.idx.msk $0xffff, v4  }
0x4c: {  	v6 =	vld.idx.msk [tilespmem:v1+s18+$0xFFFFFFA0 ss:$0x1], $0xffff;
	[tilespmem:v0+s19+$0xFFFFFFF0 ss:$0x1] =	vst.idx.msk $0xffff, v2  }
.Ltmp3:
0x4d: {  	v4 =	vld.idx.msk [tilespmem:v1+s18+$0xFFFFFFB0 ss:$0x1], $0xffff;
	[tilespmem:v0+s19+$0x0 ss:$0x1] =	vst.idx.msk $0xffff, v3;
	(pc) =	sbr.rel @p0 .LBB1_3-.Ltmp3, $4  }
0x4e: {  	v2 =	vld.idx.msk [tilespmem:v1+s18+$0xFFFFFFC0 ss:$0x1], $0xffff;
	[tilespmem:v0+s19+$0x10 ss:$0x1] =	vst.idx.msk $0xffff, v5  }
0x4f: {  	v3 =	vld.idx.msk [tilespmem:v1+s18+$0xFFFFFFD0 ss:$0x1], $0xffff;
	[tilespmem:v0+s19+$0x20 ss:$0x1] =	vst.idx.msk $0xffff, v7;
	s19 =	smov.u32 s18  }
0x50: {  	v5 =	vld.idx.msk [tilespmem:v1+s19+$0xFFFFFFE0 ss:$0x1], $0xffff;
	[tilespmem:v0+s19+$0x30 ss:$0x1] =	vst.idx.msk $0xffff, v8  }
0x51: {  	s18 =	sshra.s32 s20, $0x2;
	s20 =	sadd.s32 $0x200, s20;
	[tilespmem:v0+s19+$0xFFFFFFC0 ss:$0x1] =	vst.idx.msk $0xffff, v9;
	v7 =	vld.idx.msk [tilespmem:v1+s19+$0xFFFFFFF0 ss:$0x1], $0xffff  }
.Ltmp4:
0x52: {  	_ = 	snop;
	(pc) =	sbr.rel .LBB1_4-.Ltmp4, $1  }
0x53: {  	_ =	sdelay $0x3  }
.LBB1_6:
0x54: {  	_ =	sfence.sel $0x180000  }
0x55: {  	s2 =	simm.s32 $0x1;
	[bflag:$0x0] =	sbarrier.arrive $0xFFFF  }
0x56: {  	s31 =	simm.s32 $0x2;
	[sflag:s2] =	ssyncpa.u1 $0x1  }
0x57: {  	[sflag:s31] =	ssyncpa.u1 $0x1  }
0x58: {  	p0 =	sne.s32 s0, $0x0;
	_ =	strace $0x9000004A  }
0x59: {  	s0 =	sadd.s32 @!p0 $0x100000, s1;
	[bflag:$0x2] =	sbarrier.arrive $0xFFFF  }
0x5a: {  	[sflag:s0] =	ssyncadd.tile.s32 @!p0 $0x1;
	_ =	shalt  }
.Lfunc_end1:
_tile_overlayer_lowered:
.L_overlay_start_2:
0x5b: {  	(tag) =	ssettag $0x2  }
0x5c: {  	s0 =	rddreg [dreg:$0x0];
	s2 =	stileid.u32  }
0x5d: {  	s1 =	rddreg [dreg:$0x1];
	p0 =	sne.s32 s2, $0x0  }
0x5e: {  	s3 =	rddreg [dreg:$0x2];
	[bflag:$0x3] =	sbarrier.arrive $0xFFFF;
	s2 =	simm.s32 @!p0 $0x1C01  }
0x5f: {  	[timem:s3], [sflag:s2] =	dma.local @!p0 [hbm:s0], s1  }
0x60: {  	s0 =	simm.s32 @!p0 $0x1  }
0x61: {  	_ =	swait.ge @!p0 [sflag:s0], s1  }
0x62: {  	s1 =	ssub.s32 @!p0 $0x0, s1;
	[sflag:s0] =	ssyncset.done @!p0 $0x0  }
0x63: {  	[sflag:s0] =	ssyncadd.s32 @!p0 s1  }
0x64: {  	[bflag:$0x3] =	sbarrier.arrive $0xFFFF  }
0x65: {  	_ =	shalt  }

</sc_bundles>
